<compile_context>
chip_gen: v7x
topology: tpu7x:2x2x1
jax: 0.10.2.dev20260603
libtpu: 0.0.44.dev20260713+nightly
codegen_flags: <defaults>
</compile_context>

<pallas_src>
import functools

import jax
import jax.numpy as jnp
from jax import lax
from jax.experimental import pallas as pl
from jax.experimental.pallas import tpu as pltpu
from jax.experimental.pallas import tpu_sc as plsc


def _project_body(table_ref, w_ref, b_ref, out_ref):
    out_ref[...] = (
        lax.dot_general(
            table_ref[...],
            w_ref[...],
            (((1,), (1,)), ((), ())),
            preferred_element_type=jnp.float32,
        )
        + b_ref[...]
    )


def _project(table_padded, W, b2d):
    vp, d = table_padded.shape
    return pl.pallas_call(
        _project_body,
        out_shape=jax.ShapeDtypeStruct((vp, d), jnp.float32),
    )(table_padded, W, b2d)


def _make_gather(v, d, batch):
    info = plsc.get_sparse_core_info()
    nc, ns = info.num_cores, info.num_subcores
    nw = nc * ns
    assert batch % nw == 0
    b_per_w = batch // nw

    mesh = plsc.VectorSubcoreMesh(core_axis_name="c", subcore_axis_name="s")

    @functools.partial(
        pl.kernel,
        mesh=mesh,
        out_type=jax.ShapeDtypeStruct((batch, d), jnp.float32),
        scratch_types=[
            pltpu.VMEM((b_per_w,), jnp.int32),
            pltpu.VMEM((v, d), jnp.float32),
            pltpu.SemaphoreType.DMA,
            pltpu.SemaphoreType.DMA,
        ],
    )
    def gather_kernel(proj_hbm, idx_hbm, out_hbm, idx_s, tab_v, tsem, wsem):
        wid = lax.axis_index("s") * nc + lax.axis_index("c")
        base = wid * b_per_w
        tstage = pltpu.async_copy(proj_hbm, tab_v, tsem)
        pltpu.sync_copy(idx_hbm.at[pl.ds(base, b_per_w)], idx_s)
        tstage.wait()

        n_groups = b_per_w // 16

        def body(jo, carry):
            ids16 = idx_s[pl.ds(jo * 16, 16)]
            for k in range(16):
                row = ids16[k]
                pltpu.async_copy(
                    tab_v.at[row],
                    out_hbm.at[base + jo * 16 + k],
                    wsem,
                )
            return carry

        lax.fori_loop(0, n_groups, body, 0)
        for _ in range(n_groups):
            pltpu.make_async_copy(
                tab_v.at[pl.ds(0, 16)],
                out_hbm.at[pl.ds(base, 16)],
                wsem,
            ).wait()

    return gather_kernel


def kernel(expert_id, table, W, b):
    v, d = table.shape
    (batch,) = expert_id.shape
    projected = _project(table, W, b.reshape(1, d))
    ids = expert_id.astype(jnp.int32)
    out = _make_gather(v, d, batch)(projected, ids)
    return out

# --- scband reference (transcript-rebuilt; emitter-appended) ---
"""Pipeline reference for scband-expert-encoder-62457414419005 (READ-ONLY COPY).

The authoritative reference and input builder live on the scoring server;
editing this copy changes nothing except your own understanding.
"""

import jax, jax.numpy as jnp
import numpy as np

EXPERT_NUM = 246
EXPERT_DIM = 512
BATCH = 16384

def setup_inputs(seed: int = 0) -> dict:
    key = jax.random.key(seed)
    k_idx, k_tab, k_w, k_b = jax.random.split(key, 4)
    expert_id = jax.random.randint(k_idx, (BATCH,), 0, EXPERT_NUM, dtype=jnp.int64 if jax.config.jax_enable_x64 else jnp.int32)
    table = jax.random.normal(k_tab, (EXPERT_NUM, EXPERT_DIM), dtype=jnp.float32)
    # nn.Linear(expert_dim, expert_dim): weight [out, in], bias [out]
    bound = 1.0 / np.sqrt(EXPERT_DIM)
    W = jax.random.uniform(k_w, (EXPERT_DIM, EXPERT_DIM), minval=-bound, maxval=bound, dtype=jnp.float32)
    b = jax.random.uniform(k_b, (EXPERT_DIM,), minval=-bound, maxval=bound, dtype=jnp.float32)
    return {"expert_id": expert_id, "table": table, "W": W, "b": b}

def reference(expert_id, table, W, b):
    # nn.Embedding lookup -> gather rows
    expert_embed = jnp.take(table, expert_id, axis=0)  # [B, D]
    # nn.Linear: x @ W.T + b
    out = expert_embed @ W.T + b
    return out

if __name__ == "__main__":
    import jax
    _d = setup_inputs()
    print(jax.jit(kernel)(*tuple(_d.values())))

</pallas_src>

<mosaic_0001>
#map = affine_map<(d0, d1) -> (0, 0)>
#map1 = affine_map<(d0, d1) -> (0)>
module attributes {stable_mosaic.version = 14 : i64} {
  func.func @gather_kernel(%arg0: i32, %arg1: i32, %arg2: memref<246x512xf32, #tpu.memory_space<hbm>>, %arg3: memref<16384xi32, #tpu.memory_space<hbm>>, %arg4: memref<16384x512xf32, #tpu.memory_space<hbm>>, %arg5: memref<512xi32, #tpu.memory_space<vmem>>, %arg6: memref<246x512xf32, #tpu.memory_space<vmem>>, %arg7: memref<!tpu.dma_semaphore, #tpu.memory_space<semaphore_mem>>, %arg8: memref<!tpu.dma_semaphore, #tpu.memory_space<semaphore_mem>>) attributes {dimension_semantics = [#tpu.dimension_semantics<core_parallel>, #tpu.dimension_semantics<subcore_parallel>], iteration_bounds = array<i64: 2, 16>, scalar_prefetch = 0 : i64, scratch_operands = 4 : i64, tpu.core_type = #tpu.core_type<sc_vector_subcore>, window_params = [{transform_indices = #map}, {transform_indices = #map1}, {transform_indices = #map}]} {
    %mul3A = arith.constant 2 : i32
    %mul3A_0 = arith.muli %arg1, %mul3A : i32
    %add3A = arith.addi %mul3A_0, %arg0 : i32
    %mul3A_1 = arith.constant 512 : i32
    %mul3A_2 = arith.muli %add3A, %mul3A_1 : i32
    tpu.enqueue_dma source(%arg2 : memref<246x512xf32, #tpu.memory_space<hbm>>) target(%arg6 : memref<246x512xf32, #tpu.memory_space<vmem>>) target_semaphore(%arg7 : memref<!tpu.dma_semaphore, #tpu.memory_space<semaphore_mem>>)
    "tpu.region"() ({
      %run_scoped3A = tpu.sem_alloc : memref<!tpu.dma_semaphore, #tpu.memory_space<semaphore_mem>>
      %dma_start3A = tpu.memref_slice %arg3[%mul3A_2] : memref<16384xi32, #tpu.memory_space<hbm>> -> memref<512xi32, #tpu.memory_space<hbm>>
      %dma_start3A_327 = tpu.memref_slice %arg3[%mul3A_2] : memref<16384xi32, #tpu.memory_space<hbm>> -> memref<512xi32, #tpu.memory_space<hbm>>
      tpu.enqueue_dma source(%dma_start3A_327 : memref<512xi32, #tpu.memory_space<hbm>>) target(%arg5 : memref<512xi32, #tpu.memory_space<vmem>>) target_semaphore(%run_scoped3A : memref<!tpu.dma_semaphore, #tpu.memory_space<semaphore_mem>>)
      %dma_wait3A_328 = tpu.memref_slice %arg3[%mul3A_2] : memref<16384xi32, #tpu.memory_space<hbm>> -> memref<512xi32, #tpu.memory_space<hbm>>
      %dma_wait3A_329 = tpu.memref_slice %arg3[%mul3A_2] : memref<16384xi32, #tpu.memory_space<hbm>> -> memref<512xi32, #tpu.memory_space<hbm>>
      tpu.wait_dma2 semaphore(%run_scoped3A : memref<!tpu.dma_semaphore, #tpu.memory_space<semaphore_mem>>) src(%dma_wait3A_329 : memref<512xi32, #tpu.memory_space<hbm>>) dst(%arg5 : memref<512xi32, #tpu.memory_space<vmem>>)
      tpu.yield
    }) : () -> ()
    tpu.wait_dma2 semaphore(%arg7 : memref<!tpu.dma_semaphore, #tpu.memory_space<semaphore_mem>>) src(%arg2 : memref<246x512xf32, #tpu.memory_space<hbm>>) dst(%arg6 : memref<246x512xf32, #tpu.memory_space<vmem>>)
    %scan3A = arith.constant 0 : i32
    %scan3A_3 = arith.constant 0 : i32
    %scan3A_4 = arith.constant 32 : i32
    %scan3A_5 = arith.addi %scan3A_3, %scan3A_4 : i32
    %scan3A_6 = arith.constant 1 : i32
    scf.for %scan3A_327 = %scan3A_3 to %scan3A_5 step %scan3A_6  : i32 {
      %mul3A_328 = arith.constant 16 : i32
      %mul3A_329 = arith.muli %scan3A_327, %mul3A_328 : i32
      %get3A = arith.index_cast %mul3A_329 : i32 to index
      %get3A_330 = tpu.vector_load %arg5[%get3A] {strides = array<i32>} : memref<512xi32, #tpu.memory_space<vmem>>, vector<16xi32>,
      %get3A_331 = vector.shape_cast %get3A_330 : vector<16xi32> to vector<16xi32>
      %slice3A = vector.extract_strided_slice %get3A_331 {offsets = [0], sizes = [1], strides = [1]} : vector<16xi32> to vector<1xi32>
      %squeeze3A = vector.extract %slice3A[0] : i32 from vector<1xi32>
      %mul3A_332 = arith.constant 16 : i32
      %mul3A_333 = arith.muli %scan3A_327, %mul3A_332 : i32
      %add3A_334 = arith.addi %mul3A_2, %mul3A_333 : i32
      %add3A_335 = arith.constant 0 : i32
      %add3A_336 = arith.addi %add3A_334, %add3A_335 : i32
      %dma_start3A = arith.constant 0 : i32
      %dma_start3A_337 = tpu.memref_slice %arg6[%squeeze3A, %dma_start3A] : memref<246x512xf32, #tpu.memory_space<vmem>> -> memref<1x512xf32, #tpu.memory_space<vmem>>
      %dma_start3A_338 = tpu.memref_squeeze %dma_start3A_337 : memref<1x512xf32, #tpu.memory_space<vmem>> -> memref<512xf32, #tpu.memory_space<vmem>>
      %dma_start3A_339 = arith.constant 0 : i32
      %dma_start3A_340 = tpu.memref_slice %arg4[%add3A_336, %dma_start3A_339] : memref<16384x512xf32, #tpu.memory_space<hbm>> -> memref<1x512xf32, #tpu.memory_space<hbm>>
      %dma_start3A_341 = tpu.memref_squeeze %dma_start3A_340 : memref<1x512xf32, #tpu.memory_space<hbm>> -> memref<512xf32, #tpu.memory_space<hbm>>
      %dma_start3A_342 = arith.constant 0 : i32
      %dma_start3A_343 = tpu.memref_slice %arg4[%add3A_336, %dma_start3A_342] : memref<16384x512xf32, #tpu.memory_space<hbm>> -> memref<1x512xf32, #tpu.memory_space<hbm>>
      %dma_start3A_344 = tpu.memref_squeeze %dma_start3A_343 : memref<1x512xf32, #tpu.memory_space<hbm>> -> memref<512xf32, #tpu.memory_space<hbm>>
      %dma_start3A_345 = arith.constant 0 : i32
      %dma_start3A_346 = tpu.memref_slice %arg6[%squeeze3A, %dma_start3A_345] : memref<246x512xf32, #tpu.memory_space<vmem>> -> memref<1x512xf32, #tpu.memory_space<vmem>>
      %dma_start3A_347 = tpu.memref_squeeze %dma_start3A_346 : memref<1x512xf32, #tpu.memory_space<vmem>> -> memref<512xf32, #tpu.memory_space<vmem>>
      tpu.enqueue_dma source(%dma_start3A_347 : memref<512xf32, #tpu.memory_space<vmem>>) target(%dma_start3A_344 : memref<512xf32, #tpu.memory_space<hbm>>) target_semaphore(%arg8 : memref<!tpu.dma_semaphore, #tpu.memory_space<semaphore_mem>>)
      %slice3A_348 = vector.extract_strided_slice %get3A_331 {offsets = [1], sizes = [1], strides = [1]} : vector<16xi32> to vector<1xi32>
      %squeeze3A_349 = vector.extract %slice3A_348[0] : i32 from vector<1xi32>
      %mul3A_350 = arith.constant 16 : i32
      %mul3A_351 = arith.muli %scan3A_327, %mul3A_350 : i32
      %add3A_352 = arith.addi %mul3A_2, %mul3A_351 : i32
      %add3A_353 = arith.constant 1 : i32
      %add3A_354 = arith.addi %add3A_352, %add3A_353 : i32
      %dma_start3A_355 = arith.constant 0 : i32
      %dma_start3A_356 = tpu.memref_slice %arg6[%squeeze3A_349, %dma_start3A_355] : memref<246x512xf32, #tpu.memory_space<vmem>> -> memref<1x512xf32, #tpu.memory_space<vmem>>
      %dma_start3A_357 = tpu.memref_squeeze %dma_start3A_356 : memref<1x512xf32, #tpu.memory_space<vmem>> -> memref<512xf32, #tpu.memory_space<vmem>>
      %dma_start3A_358 = arith.constant 0 : i32
      %dma_start3A_359 = tpu.memref_slice %arg4[%add3A_354, %dma_start3A_358] : memref<16384x512xf32, #tpu.memory_space<hbm>> -> memref<1x512xf32, #tpu.memory_space<hbm>>
      %dma_start3A_360 = tpu.memref_squeeze %dma_start3A_359 : memref<1x512xf32, #tpu.memory_space<hbm>> -> memref<512xf32, #tpu.memory_space<hbm>>
      %dma_start3A_361 = arith.constant 0 : i32
      %dma_start3A_362 = tpu.memref_slice %arg4[%add3A_354, %dma_start3A_361] : memref<16384x512xf32, #tpu.memory_space<hbm>> -> memref<1x512xf32, #tpu.memory_space<hbm>>
      %dma_start3A_363 = tpu.memref_squeeze %dma_start3A_362 : memref<1x512xf32, #tpu.memory_space<hbm>> -> memref<512xf32, #tpu.memory_space<hbm>>
      %dma_start3A_364 = arith.constant 0 : i32
      %dma_start3A_365 = tpu.memref_slice %arg6[%squeeze3A_349, %dma_start3A_364] : memref<246x512xf32, #tpu.memory_space<vmem>> -> memref<1x512xf32, #tpu.memory_space<vmem>>
      %dma_start3A_366 = tpu.memref_squeeze %dma_start3A_365 : memref<1x512xf32, #tpu.memory_space<vmem>> -> memref<512xf32, #tpu.memory_space<vmem>>
      tpu.enqueue_dma source(%dma_start3A_366 : memref<512xf32, #tpu.memory_space<vmem>>) target(%dma_start3A_363 : memref<512xf32, #tpu.memory_space<hbm>>) target_semaphore(%arg8 : memref<!tpu.dma_semaphore, #tpu.memory_space<semaphore_mem>>)
      %slice3A_367 = vector.extract_strided_slice %get3A_331 {offsets = [2], sizes = [1], strides = [1]} : vector<16xi32> to vector<1xi32>
      %squeeze3A_368 = vector.extract %slice3A_367[0] : i32 from vector<1xi32>
      %mul3A_369 = arith.constant 16 : i32
      %mul3A_370 = arith.muli %scan3A_327, %mul3A_369 : i32
      %add3A_371 = arith.addi %mul3A_2, %mul3A_370 : i32
      %add3A_372 = arith.constant 2 : i32
      %add3A_373 = arith.addi %add3A_371, %add3A_372 : i32
      %dma_start3A_374 = arith.constant 0 : i32
      %dma_start3A_375 = tpu.memref_slice %arg6[%squeeze3A_368, %dma_start3A_374] : memref<246x512xf32, #tpu.memory_space<vmem>> -> memref<1x512xf32, #tpu.memory_space<vmem>>
      %dma_start3A_376 = tpu.memref_squeeze %dma_start3A_375 : memref<1x512xf32, #tpu.memory_space<vmem>> -> memref<512xf32, #tpu.memory_space<vmem>>
      %dma_start3A_377 = arith.constant 0 : i32
      %dma_start3A_378 = tpu.memref_slice %arg4[%add3A_373, %dma_start3A_377] : memref<16384x512xf32, #tpu.memory_space<hbm>> -> memref<1x512xf32, #tpu.memory_space<hbm>>
      %dma_start3A_379 = tpu.memref_squeeze %dma_start3A_378 : memref<1x512xf32, #tpu.memory_space<hbm>> -> memref<512xf32, #tpu.memory_space<hbm>>
      %dma_start3A_380 = arith.constant 0 : i32
      %dma_start3A_381 = tpu.memref_slice %arg4[%add3A_373, %dma_start3A_380] : memref<16384x512xf32, #tpu.memory_space<hbm>> -> memref<1x512xf32, #tpu.memory_space<hbm>>
      %dma_start3A_382 = tpu.memref_squeeze %dma_start3A_381 : memref<1x512xf32, #tpu.memory_space<hbm>> -> memref<512xf32, #tpu.memory_space<hbm>>
      %dma_start3A_383 = arith.constant 0 : i32
      %dma_start3A_384 = tpu.memref_slice %arg6[%squeeze3A_368, %dma_start3A_383] : memref<246x512xf32, #tpu.memory_space<vmem>> -> memref<1x512xf32, #tpu.memory_space<vmem>>
      %dma_start3A_385 = tpu.memref_squeeze %dma_start3A_384 : memref<1x512xf32, #tpu.memory_space<vmem>> -> memref<512xf32, #tpu.memory_space<vmem>>
      tpu.enqueue_dma source(%dma_start3A_385 : memref<512xf32, #tpu.memory_space<vmem>>) target(%dma_start3A_382 : memref<512xf32, #tpu.memory_space<hbm>>) target_semaphore(%arg8 : memref<!tpu.dma_semaphore, #tpu.memory_space<semaphore_mem>>)
      %slice3A_386 = vector.extract_strided_slice %get3A_331 {offsets = [3], sizes = [1], strides = [1]} : vector<16xi32> to vector<1xi32>
      %squeeze3A_387 = vector.extract %slice3A_386[0] : i32 from vector<1xi32>
      %mul3A_388 = arith.constant 16 : i32
      %mul3A_389 = arith.muli %scan3A_327, %mul3A_388 : i32
      %add3A_390 = arith.addi %mul3A_2, %mul3A_389 : i32
      %add3A_391 = arith.constant 3 : i32
      %add3A_392 = arith.addi %add3A_390, %add3A_391 : i32
      %dma_start3A_393 = arith.constant 0 : i32
      %dma_start3A_394 = tpu.memref_slice %arg6[%squeeze3A_387, %dma_start3A_393] : memref<246x512xf32, #tpu.memory_space<vmem>> -> memref<1x512xf32, #tpu.memory_space<vmem>>
      %dma_start3A_395 = tpu.memref_squeeze %dma_start3A_394 : memref<1x512xf32, #tpu.memory_space<vmem>> -> memref<512xf32, #tpu.memory_space<vmem>>
      %dma_start3A_396 = arith.constant 0 : i32
      %dma_start3A_397 = tpu.memref_slice %arg4[%add3A_392, %dma_start3A_396] : memref<16384x512xf32, #tpu.memory_space<hbm>> -> memref<1x512xf32, #tpu.memory_space<hbm>>
      %dma_start3A_398 = tpu.memref_squeeze %dma_start3A_397 : memref<1x512xf32, #tpu.memory_space<hbm>> -> memref<512xf32, #tpu.memory_space<hbm>>
      %dma_start3A_399 = arith.constant 0 : i32
      %dma_start3A_400 = tpu.memref_slice %arg4[%add3A_392, %dma_start3A_399] : memref<16384x512xf32, #tpu.memory_space<hbm>> -> memref<1x512xf32, #tpu.memory_space<hbm>>
      %dma_start3A_401 = tpu.memref_squeeze %dma_start3A_400 : memref<1x512xf32, #tpu.memory_space<hbm>> -> memref<512xf32, #tpu.memory_space<hbm>>
      %dma_start3A_402 = arith.constant 0 : i32
      %dma_start3A_403 = tpu.memref_slice %arg6[%squeeze3A_387, %dma_start3A_402] : memref<246x512xf32, #tpu.memory_space<vmem>> -> memref<1x512xf32, #tpu.memory_space<vmem>>
      %dma_start3A_404 = tpu.memref_squeeze %dma_start3A_403 : memref<1x512xf32, #tpu.memory_space<vmem>> -> memref<512xf32, #tpu.memory_space<vmem>>
      tpu.enqueue_dma source(%dma_start3A_404 : memref<512xf32, #tpu.memory_space<vmem>>) target(%dma_start3A_401 : memref<512xf32, #tpu.memory_space<hbm>>) target_semaphore(%arg8 : memref<!tpu.dma_semaphore, #tpu.memory_space<semaphore_mem>>)
      %slice3A_405 = vector.extract_strided_slice %get3A_331 {offsets = [4], sizes = [1], strides = [1]} : vector<16xi32> to vector<1xi32>
      %squeeze3A_406 = vector.extract %slice3A_405[0] : i32 from vector<1xi32>
      %mul3A_407 = arith.constant 16 : i32
      %mul3A_408 = arith.muli %scan3A_327, %mul3A_407 : i32
      %add3A_409 = arith.addi %mul3A_2, %mul3A_408 : i32
      %add3A_410 = arith.constant 4 : i32
      %add3A_411 = arith.addi %add3A_409, %add3A_410 : i32
      %dma_start3A_412 = arith.constant 0 : i32
      %dma_start3A_413 = tpu.memref_slice %arg6[%squeeze3A_406, %dma_start3A_412] : memref<246x512xf32, #tpu.memory_space<vmem>> -> memref<1x512xf32, #tpu.memory_space<vmem>>
      %dma_start3A_414 = tpu.memref_squeeze %dma_start3A_413 : memref<1x512xf32, #tpu.memory_space<vmem>> -> memref<512xf32, #tpu.memory_space<vmem>>
      %dma_start3A_415 = arith.constant 0 : i32
      %dma_start3A_416 = tpu.memref_slice %arg4[%add3A_411, %dma_start3A_415] : memref<16384x512xf32, #tpu.memory_space<hbm>> -> memref<1x512xf32, #tpu.memory_space<hbm>>
      %dma_start3A_417 = tpu.memref_squeeze %dma_start3A_416 : memref<1x512xf32, #tpu.memory_space<hbm>> -> memref<512xf32, #tpu.memory_space<hbm>>
      %dma_start3A_418 = arith.constant 0 : i32
      %dma_start3A_419 = tpu.memref_slice %arg4[%add3A_411, %dma_start3A_418] : memref<16384x512xf32, #tpu.memory_space<hbm>> -> memref<1x512xf32, #tpu.memory_space<hbm>>
      %dma_start3A_420 = tpu.memref_squeeze %dma_start3A_419 : memref<1x512xf32, #tpu.memory_space<hbm>> -> memref<512xf32, #tpu.memory_space<hbm>>
      %dma_start3A_421 = arith.constant 0 : i32
      %dma_start3A_422 = tpu.memref_slice %arg6[%squeeze3A_406, %dma_start3A_421] : memref<246x512xf32, #tpu.memory_space<vmem>> -> memref<1x512xf32, #tpu.memory_space<vmem>>
      %dma_start3A_423 = tpu.memref_squeeze %dma_start3A_422 : memref<1x512xf32, #tpu.memory_space<vmem>> -> memref<512xf32, #tpu.memory_space<vmem>>
      tpu.enqueue_dma source(%dma_start3A_423 : memref<512xf32, #tpu.memory_space<vmem>>) target(%dma_start3A_420 : memref<512xf32, #tpu.memory_space<hbm>>) target_semaphore(%arg8 : memref<!tpu.dma_semaphore, #tpu.memory_space<semaphore_mem>>)
      %slice3A_424 = vector.extract_strided_slice %get3A_331 {offsets = [5], sizes = [1], strides = [1]} : vector<16xi32> to vector<1xi32>
      %squeeze3A_425 = vector.extract %slice3A_424[0] : i32 from vector<1xi32>
      %mul3A_426 = arith.constant 16 : i32
      %mul3A_427 = arith.muli %scan3A_327, %mul3A_426 : i32
      %add3A_428 = arith.addi %mul3A_2, %mul3A_427 : i32
      %add3A_429 = arith.constant 5 : i32
      %add3A_430 = arith.addi %add3A_428, %add3A_429 : i32
      %dma_start3A_431 = arith.constant 0 : i32
      %dma_start3A_432 = tpu.memref_slice %arg6[%squeeze3A_425, %dma_start3A_431] : memref<246x512xf32, #tpu.memory_space<vmem>> -> memref<1x512xf32, #tpu.memory_space<vmem>>
      %dma_start3A_433 = tpu.memref_squeeze %dma_start3A_432 : memref<1x512xf32, #tpu.memory_space<vmem>> -> memref<512xf32, #tpu.memory_space<vmem>>
      %dma_start3A_434 = arith.constant 0 : i32
      %dma_start3A_435 = tpu.memref_slice %arg4[%add3A_430, %dma_start3A_434] : memref<16384x512xf32, #tpu.memory_space<hbm>> -> memref<1x512xf32, #tpu.memory_space<hbm>>
      %dma_start3A_436 = tpu.memref_squeeze %dma_start3A_435 : memref<1x512xf32, #tpu.memory_space<hbm>> -> memref<512xf32, #tpu.memory_space<hbm>>
      %dma_start3A_437 = arith.constant 0 : i32
      %dma_start3A_438 = tpu.memref_slice %arg4[%add3A_430, %dma_start3A_437] : memref<16384x512xf32, #tpu.memory_space<hbm>> -> memref<1x512xf32, #tpu.memory_space<hbm>>
      %dma_start3A_439 = tpu.memref_squeeze %dma_start3A_438 : memref<1x512xf32, #tpu.memory_space<hbm>> -> memref<512xf32, #tpu.memory_space<hbm>>
      %dma_start3A_440 = arith.constant 0 : i32
      %dma_start3A_441 = tpu.memref_slice %arg6[%squeeze3A_425, %dma_start3A_440] : memref<246x512xf32, #tpu.memory_space<vmem>> -> memref<1x512xf32, #tpu.memory_space<vmem>>
      %dma_start3A_442 = tpu.memref_squeeze %dma_start3A_441 : memref<1x512xf32, #tpu.memory_space<vmem>> -> memref<512xf32, #tpu.memory_space<vmem>>
      tpu.enqueue_dma source(%dma_start3A_442 : memref<512xf32, #tpu.memory_space<vmem>>) target(%dma_start3A_439 : memref<512xf32, #tpu.memory_space<hbm>>) target_semaphore(%arg8 : memref<!tpu.dma_semaphore, #tpu.memory_space<semaphore_mem>>)
      %slice3A_443 = vector.extract_strided_slice %get3A_331 {offsets = [6], sizes = [1], strides = [1]} : vector<16xi32> to vector<1xi32>
      %squeeze3A_444 = vector.extract %slice3A_443[0] : i32 from vector<1xi32>
      %mul3A_445 = arith.constant 16 : i32
      %mul3A_446 = arith.muli %scan3A_327, %mul3A_445 : i32
      %add3A_447 = arith.addi %mul3A_2, %mul3A_446 : i32
      %add3A_448 = arith.constant 6 : i32
      %add3A_449 = arith.addi %add3A_447, %add3A_448 : i32
      %dma_start3A_450 = arith.constant 0 : i32
      %dma_start3A_451 = tpu.memref_slice %arg6[%squeeze3A_444, %dma_start3A_450] : memref<246x512xf32, #tpu.memory_space<vmem>> -> memref<1x512xf32, #tpu.memory_space<vmem>>
      %dma_start3A_452 = tpu.memref_squeeze %dma_start3A_451 : memref<1x512xf32, #tpu.memory_space<vmem>> -> memref<512xf32, #tpu.memory_space<vmem>>
      %dma_start3A_453 = arith.constant 0 : i32
      %dma_start3A_454 = tpu.memref_slice %arg4[%add3A_449, %dma_start3A_453] : memref<16384x512xf32, #tpu.memory_space<hbm>> -> memref<1x512xf32, #tpu.memory_space<hbm>>
      %dma_start3A_455 = tpu.memref_squeeze %dma_start3A_454 : memref<1x512xf32, #tpu.memory_space<hbm>> -> memref<512xf32, #tpu.memory_space<hbm>>
      %dma_start3A_456 = arith.constant 0 : i32
      %dma_start3A_457 = tpu.memref_slice %arg4[%add3A_449, %dma_start3A_456] : memref<16384x512xf32, #tpu.memory_space<hbm>> -> memref<1x512xf32, #tpu.memory_space<hbm>>
      %dma_start3A_458 = tpu.memref_squeeze %dma_start3A_457 : memref<1x512xf32, #tpu.memory_space<hbm>> -> memref<512xf32, #tpu.memory_space<hbm>>
      %dma_start3A_459 = arith.constant 0 : i32
      %dma_start3A_460 = tpu.memref_slice %arg6[%squeeze3A_444, %dma_start3A_459] : memref<246x512xf32, #tpu.memory_space<vmem>> -> memref<1x512xf32, #tpu.memory_space<vmem>>
      %dma_start3A_461 = tpu.memref_squeeze %dma_start3A_460 : memref<1x512xf32, #tpu.memory_space<vmem>> -> memref<512xf32, #tpu.memory_space<vmem>>
      tpu.enqueue_dma source(%dma_start3A_461 : memref<512xf32, #tpu.memory_space<vmem>>) target(%dma_start3A_458 : memref<512xf32, #tpu.memory_space<hbm>>) target_semaphore(%arg8 : memref<!tpu.dma_semaphore, #tpu.memory_space<semaphore_mem>>)
      %slice3A_462 = vector.extract_strided_slice %get3A_331 {offsets = [7], sizes = [1], strides = [1]} : vector<16xi32> to vector<1xi32>
      %squeeze3A_463 = vector.extract %slice3A_462[0] : i32 from vector<1xi32>
      %mul3A_464 = arith.constant 16 : i32
      %mul3A_465 = arith.muli %scan3A_327, %mul3A_464 : i32
      %add3A_466 = arith.addi %mul3A_2, %mul3A_465 : i32
      %add3A_467 = arith.constant 7 : i32
      %add3A_468 = arith.addi %add3A_466, %add3A_467 : i32
      %dma_start3A_469 = arith.constant 0 : i32
      %dma_start3A_470 = tpu.memref_slice %arg6[%squeeze3A_463, %dma_start3A_469] : memref<246x512xf32, #tpu.memory_space<vmem>> -> memref<1x512xf32, #tpu.memory_space<vmem>>
      %dma_start3A_471 = tpu.memref_squeeze %dma_start3A_470 : memref<1x512xf32, #tpu.memory_space<vmem>> -> memref<512xf32, #tpu.memory_space<vmem>>
      %dma_start3A_472 = arith.constant 0 : i32
      %dma_start3A_473 = tpu.memref_slice %arg4[%add3A_468, %dma_start3A_472] : memref<16384x512xf32, #tpu.memory_space<hbm>> -> memref<1x512xf32, #tpu.memory_space<hbm>>
      %dma_start3A_474 = tpu.memref_squeeze %dma_start3A_473 : memref<1x512xf32, #tpu.memory_space<hbm>> -> memref<512xf32, #tpu.memory_space<hbm>>
      %dma_start3A_475 = arith.constant 0 : i32
      %dma_start3A_476 = tpu.memref_slice %arg4[%add3A_468, %dma_start3A_475] : memref<16384x512xf32, #tpu.memory_space<hbm>> -> memref<1x512xf32, #tpu.memory_space<hbm>>
      %dma_start3A_477 = tpu.memref_squeeze %dma_start3A_476 : memref<1x512xf32, #tpu.memory_space<hbm>> -> memref<512xf32, #tpu.memory_space<hbm>>
      %dma_start3A_478 = arith.constant 0 : i32
      %dma_start3A_479 = tpu.memref_slice %arg6[%squeeze3A_463, %dma_start3A_478] : memref<246x512xf32, #tpu.memory_space<vmem>> -> memref<1x512xf32, #tpu.memory_space<vmem>>
      %dma_start3A_480 = tpu.memref_squeeze %dma_start3A_479 : memref<1x512xf32, #tpu.memory_space<vmem>> -> memref<512xf32, #tpu.memory_space<vmem>>
      tpu.enqueue_dma source(%dma_start3A_480 : memref<512xf32, #tpu.memory_space<vmem>>) target(%dma_start3A_477 : memref<512xf32, #tpu.memory_space<hbm>>) target_semaphore(%arg8 : memref<!tpu.dma_semaphore, #tpu.memory_space<semaphore_mem>>)
      %slice3A_481 = vector.extract_strided_slice %get3A_331 {offsets = [8], sizes = [1], strides = [1]} : vector<16xi32> to vector<1xi32>
      %squeeze3A_482 = vector.extract %slice3A_481[0] : i32 from vector<1xi32>
      %mul3A_483 = arith.constant 16 : i32
      %mul3A_484 = arith.muli %scan3A_327, %mul3A_483 : i32
      %add3A_485 = arith.addi %mul3A_2, %mul3A_484 : i32
      %add3A_486 = arith.constant 8 : i32
      %add3A_487 = arith.addi %add3A_485, %add3A_486 : i32
      %dma_start3A_488 = arith.constant 0 : i32
      %dma_start3A_489 = tpu.memref_slice %arg6[%squeeze3A_482, %dma_start3A_488] : memref<246x512xf32, #tpu.memory_space<vmem>> -> memref<1x512xf32, #tpu.memory_space<vmem>>
      %dma_start3A_490 = tpu.memref_squeeze %dma_start3A_489 : memref<1x512xf32, #tpu.memory_space<vmem>> -> memref<512xf32, #tpu.memory_space<vmem>>
      %dma_start3A_491 = arith.constant 0 : i32
      %dma_start3A_492 = tpu.memref_slice %arg4[%add3A_487, %dma_start3A_491] : memref<16384x512xf32, #tpu.memory_space<hbm>> -> memref<1x512xf32, #tpu.memory_space<hbm>>
      %dma_start3A_493 = tpu.memref_squeeze %dma_start3A_492 : memref<1x512xf32, #tpu.memory_space<hbm>> -> memref<512xf32, #tpu.memory_space<hbm>>
      %dma_start3A_494 = arith.constant 0 : i32
      %dma_start3A_495 = tpu.memref_slice %arg4[%add3A_487, %dma_start3A_494] : memref<16384x512xf32, #tpu.memory_space<hbm>> -> memref<1x512xf32, #tpu.memory_space<hbm>>
      %dma_start3A_496 = tpu.memref_squeeze %dma_start3A_495 : memref<1x512xf32, #tpu.memory_space<hbm>> -> memref<512xf32, #tpu.memory_space<hbm>>
      %dma_start3A_497 = arith.constant 0 : i32
      %dma_start3A_498 = tpu.memref_slice %arg6[%squeeze3A_482, %dma_start3A_497] : memref<246x512xf32, #tpu.memory_space<vmem>> -> memref<1x512xf32, #tpu.memory_space<vmem>>
      %dma_start3A_499 = tpu.memref_squeeze %dma_start3A_498 : memref<1x512xf32, #tpu.memory_space<vmem>> -> memref<512xf32, #tpu.memory_space<vmem>>
      tpu.enqueue_dma source(%dma_start3A_499 : memref<512xf32, #tpu.memory_space<vmem>>) target(%dma_start3A_496 : memref<512xf32, #tpu.memory_space<hbm>>) target_semaphore(%arg8 : memref<!tpu.dma_semaphore, #tpu.memory_space<semaphore_mem>>)
      %slice3A_500 = vector.extract_strided_slice %get3A_331 {offsets = [9], sizes = [1], strides = [1]} : vector<16xi32> to vector<1xi32>
      %squeeze3A_501 = vector.extract %slice3A_500[0] : i32 from vector<1xi32>
      %mul3A_502 = arith.constant 16 : i32
      %mul3A_503 = arith.muli %scan3A_327, %mul3A_502 : i32
      %add3A_504 = arith.addi %mul3A_2, %mul3A_503 : i32
      %add3A_505 = arith.constant 9 : i32
      %add3A_506 = arith.addi %add3A_504, %add3A_505 : i32
      %dma_start3A_507 = arith.constant 0 : i32
      %dma_start3A_508 = tpu.memref_slice %arg6[%squeeze3A_501, %dma_start3A_507] : memref<246x512xf32, #tpu.memory_space<vmem>> -> memref<1x512xf32, #tpu.memory_space<vmem>>
      %dma_start3A_509 = tpu.memref_squeeze %dma_start3A_508 : memref<1x512xf32, #tpu.memory_space<vmem>> -> memref<512xf32, #tpu.memory_space<vmem>>
      %dma_start3A_510 = arith.constant 0 : i32
      %dma_start3A_511 = tpu.memref_slice %arg4[%add3A_506, %dma_start3A_510] : memref<16384x512xf32, #tpu.memory_space<hbm>> -> memref<1x512xf32, #tpu.memory_space<hbm>>
      %dma_start3A_512 = tpu.memref_squeeze %dma_start3A_511 : memref<1x512xf32, #tpu.memory_space<hbm>> -> memref<512xf32, #tpu.memory_space<hbm>>
      %dma_start3A_513 = arith.constant 0 : i32
      %dma_start3A_514 = tpu.memref_slice %arg4[%add3A_506, %dma_start3A_513] : memref<16384x512xf32, #tpu.memory_space<hbm>> -> memref<1x512xf32, #tpu.memory_space<hbm>>
      %dma_start3A_515 = tpu.memref_squeeze %dma_start3A_514 : memref<1x512xf32, #tpu.memory_space<hbm>> -> memref<512xf32, #tpu.memory_space<hbm>>
      %dma_start3A_516 = arith.constant 0 : i32
      %dma_start3A_517 = tpu.memref_slice %arg6[%squeeze3A_501, %dma_start3A_516] : memref<246x512xf32, #tpu.memory_space<vmem>> -> memref<1x512xf32, #tpu.memory_space<vmem>>
      %dma_start3A_518 = tpu.memref_squeeze %dma_start3A_517 : memref<1x512xf32, #tpu.memory_space<vmem>> -> memref<512xf32, #tpu.memory_space<vmem>>
      tpu.enqueue_dma source(%dma_start3A_518 : memref<512xf32, #tpu.memory_space<vmem>>) target(%dma_start3A_515 : memref<512xf32, #tpu.memory_space<hbm>>) target_semaphore(%arg8 : memref<!tpu.dma_semaphore, #tpu.memory_space<semaphore_mem>>)
      %slice3A_519 = vector.extract_strided_slice %get3A_331 {offsets = [10], sizes = [1], strides = [1]} : vector<16xi32> to vector<1xi32>
      %squeeze3A_520 = vector.extract %slice3A_519[0] : i32 from vector<1xi32>
      %mul3A_521 = arith.constant 16 : i32
      %mul3A_522 = arith.muli %scan3A_327, %mul3A_521 : i32
      %add3A_523 = arith.addi %mul3A_2, %mul3A_522 : i32
      %add3A_524 = arith.constant 10 : i32
      %add3A_525 = arith.addi %add3A_523, %add3A_524 : i32
      %dma_start3A_526 = arith.constant 0 : i32
      %dma_start3A_527 = tpu.memref_slice %arg6[%squeeze3A_520, %dma_start3A_526] : memref<246x512xf32, #tpu.memory_space<vmem>> -> memref<1x512xf32, #tpu.memory_space<vmem>>
      %dma_start3A_528 = tpu.memref_squeeze %dma_start3A_527 : memref<1x512xf32, #tpu.memory_space<vmem>> -> memref<512xf32, #tpu.memory_space<vmem>>
      %dma_start3A_529 = arith.constant 0 : i32
      %dma_start3A_530 = tpu.memref_slice %arg4[%add3A_525, %dma_start3A_529] : memref<16384x512xf32, #tpu.memory_space<hbm>> -> memref<1x512xf32, #tpu.memory_space<hbm>>
      %dma_start3A_531 = tpu.memref_squeeze %dma_start3A_530 : memref<1x512xf32, #tpu.memory_space<hbm>> -> memref<512xf32, #tpu.memory_space<hbm>>
      %dma_start3A_532 = arith.constant 0 : i32
      %dma_start3A_533 = tpu.memref_slice %arg4[%add3A_525, %dma_start3A_532] : memref<16384x512xf32, #tpu.memory_space<hbm>> -> memref<1x512xf32, #tpu.memory_space<hbm>>
      %dma_start3A_534 = tpu.memref_squeeze %dma_start3A_533 : memref<1x512xf32, #tpu.memory_space<hbm>> -> memref<512xf32, #tpu.memory_space<hbm>>
      %dma_start3A_535 = arith.constant 0 : i32
      %dma_start3A_536 = tpu.memref_slice %arg6[%squeeze3A_520, %dma_start3A_535] : memref<246x512xf32, #tpu.memory_space<vmem>> -> memref<1x512xf32, #tpu.memory_space<vmem>>
      %dma_start3A_537 = tpu.memref_squeeze %dma_start3A_536 : memref<1x512xf32, #tpu.memory_space<vmem>> -> memref<512xf32, #tpu.memory_space<vmem>>
      tpu.enqueue_dma source(%dma_start3A_537 : memref<512xf32, #tpu.memory_space<vmem>>) target(%dma_start3A_534 : memref<512xf32, #tpu.memory_space<hbm>>) target_semaphore(%arg8 : memref<!tpu.dma_semaphore, #tpu.memory_space<semaphore_mem>>)
      %slice3A_538 = vector.extract_strided_slice %get3A_331 {offsets = [11], sizes = [1], strides = [1]} : vector<16xi32> to vector<1xi32>
      %squeeze3A_539 = vector.extract %slice3A_538[0] : i32 from vector<1xi32>
      %mul3A_540 = arith.constant 16 : i32
      %mul3A_541 = arith.muli %scan3A_327, %mul3A_540 : i32
      %add3A_542 = arith.addi %mul3A_2, %mul3A_541 : i32
      %add3A_543 = arith.constant 11 : i32
      %add3A_544 = arith.addi %add3A_542, %add3A_543 : i32
      %dma_start3A_545 = arith.constant 0 : i32
      %dma_start3A_546 = tpu.memref_slice %arg6[%squeeze3A_539, %dma_start3A_545] : memref<246x512xf32, #tpu.memory_space<vmem>> -> memref<1x512xf32, #tpu.memory_space<vmem>>
      %dma_start3A_547 = tpu.memref_squeeze %dma_start3A_546 : memref<1x512xf32, #tpu.memory_space<vmem>> -> memref<512xf32, #tpu.memory_space<vmem>>
      %dma_start3A_548 = arith.constant 0 : i32
      %dma_start3A_549 = tpu.memref_slice %arg4[%add3A_544, %dma_start3A_548] : memref<16384x512xf32, #tpu.memory_space<hbm>> -> memref<1x512xf32, #tpu.memory_space<hbm>>
      %dma_start3A_550 = tpu.memref_squeeze %dma_start3A_549 : memref<1x512xf32, #tpu.memory_space<hbm>> -> memref<512xf32, #tpu.memory_space<hbm>>
      %dma_start3A_551 = arith.constant 0 : i32
      %dma_start3A_552 = tpu.memref_slice %arg4[%add3A_544, %dma_start3A_551] : memref<16384x512xf32, #tpu.memory_space<hbm>> -> memref<1x512xf32, #tpu.memory_space<hbm>>
      %dma_start3A_553 = tpu.memref_squeeze %dma_start3A_552 : memref<1x512xf32, #tpu.memory_space<hbm>> -> memref<512xf32, #tpu.memory_space<hbm>>
      %dma_start3A_554 = arith.constant 0 : i32
      %dma_start3A_555 = tpu.memref_slice %arg6[%squeeze3A_539, %dma_start3A_554] : memref<246x512xf32, #tpu.memory_space<vmem>> -> memref<1x512xf32, #tpu.memory_space<vmem>>
      %dma_start3A_556 = tpu.memref_squeeze %dma_start3A_555 : memref<1x512xf32, #tpu.memory_space<vmem>> -> memref<512xf32, #tpu.memory_space<vmem>>
      tpu.enqueue_dma source(%dma_start3A_556 : memref<512xf32, #tpu.memory_space<vmem>>) target(%dma_start3A_553 : memref<512xf32, #tpu.memory_space<hbm>>) target_semaphore(%arg8 : memref<!tpu.dma_semaphore, #tpu.memory_space<semaphore_mem>>)
      %slice3A_557 = vector.extract_strided_slice %get3A_331 {offsets = [12], sizes = [1], strides = [1]} : vector<16xi32> to vector<1xi32>
      %squeeze3A_558 = vector.extract %slice3A_557[0] : i32 from vector<1xi32>
      %mul3A_559 = arith.constant 16 : i32
      %mul3A_560 = arith.muli %scan3A_327, %mul3A_559 : i32
      %add3A_561 = arith.addi %mul3A_2, %mul3A_560 : i32
      %add3A_562 = arith.constant 12 : i32
      %add3A_563 = arith.addi %add3A_561, %add3A_562 : i32
      %dma_start3A_564 = arith.constant 0 : i32
      %dma_start3A_565 = tpu.memref_slice %arg6[%squeeze3A_558, %dma_start3A_564] : memref<246x512xf32, #tpu.memory_space<vmem>> -> memref<1x512xf32, #tpu.memory_space<vmem>>
      %dma_start3A_566 = tpu.memref_squeeze %dma_start3A_565 : memref<1x512xf32, #tpu.memory_space<vmem>> -> memref<512xf32, #tpu.memory_space<vmem>>
      %dma_start3A_567 = arith.constant 0 : i32
      %dma_start3A_568 = tpu.memref_slice %arg4[%add3A_563, %dma_start3A_567] : memref<16384x512xf32, #tpu.memory_space<hbm>> -> memref<1x512xf32, #tpu.memory_space<hbm>>
      %dma_start3A_569 = tpu.memref_squeeze %dma_start3A_568 : memref<1x512xf32, #tpu.memory_space<hbm>> -> memref<512xf32, #tpu.memory_space<hbm>>
      %dma_start3A_570 = arith.constant 0 : i32
      %dma_start3A_571 = tpu.memref_slice %arg4[%add3A_563, %dma_start3A_570] : memref<16384x512xf32, #tpu.memory_space<hbm>> -> memref<1x512xf32, #tpu.memory_space<hbm>>
      %dma_start3A_572 = tpu.memref_squeeze %dma_start3A_571 : memref<1x512xf32, #tpu.memory_space<hbm>> -> memref<512xf32, #tpu.memory_space<hbm>>
      %dma_start3A_573 = arith.constant 0 : i32
      %dma_start3A_574 = tpu.memref_slice %arg6[%squeeze3A_558, %dma_start3A_573] : memref<246x512xf32, #tpu.memory_space<vmem>> -> memref<1x512xf32, #tpu.memory_space<vmem>>
      %dma_start3A_575 = tpu.memref_squeeze %dma_start3A_574 : memref<1x512xf32, #tpu.memory_space<vmem>> -> memref<512xf32, #tpu.memory_space<vmem>>
      tpu.enqueue_dma source(%dma_start3A_575 : memref<512xf32, #tpu.memory_space<vmem>>) target(%dma_start3A_572 : memref<512xf32, #tpu.memory_space<hbm>>) target_semaphore(%arg8 : memref<!tpu.dma_semaphore, #tpu.memory_space<semaphore_mem>>)
      %slice3A_576 = vector.extract_strided_slice %get3A_331 {offsets = [13], sizes = [1], strides = [1]} : vector<16xi32> to vector<1xi32>
      %squeeze3A_577 = vector.extract %slice3A_576[0] : i32 from vector<1xi32>
      %mul3A_578 = arith.constant 16 : i32
      %mul3A_579 = arith.muli %scan3A_327, %mul3A_578 : i32
      %add3A_580 = arith.addi %mul3A_2, %mul3A_579 : i32
      %add3A_581 = arith.constant 13 : i32
      %add3A_582 = arith.addi %add3A_580, %add3A_581 : i32
      %dma_start3A_583 = arith.constant 0 : i32
      %dma_start3A_584 = tpu.memref_slice %arg6[%squeeze3A_577, %dma_start3A_583] : memref<246x512xf32, #tpu.memory_space<vmem>> -> memref<1x512xf32, #tpu.memory_space<vmem>>
      %dma_start3A_585 = tpu.memref_squeeze %dma_start3A_584 : memref<1x512xf32, #tpu.memory_space<vmem>> -> memref<512xf32, #tpu.memory_space<vmem>>
      %dma_start3A_586 = arith.constant 0 : i32
      %dma_start3A_587 = tpu.memref_slice %arg4[%add3A_582, %dma_start3A_586] : memref<16384x512xf32, #tpu.memory_space<hbm>> -> memref<1x512xf32, #tpu.memory_space<hbm>>
      %dma_start3A_588 = tpu.memref_squeeze %dma_start3A_587 : memref<1x512xf32, #tpu.memory_space<hbm>> -> memref<512xf32, #tpu.memory_space<hbm>>
      %dma_start3A_589 = arith.constant 0 : i32
      %dma_start3A_590 = tpu.memref_slice %arg4[%add3A_582, %dma_start3A_589] : memref<16384x512xf32, #tpu.memory_space<hbm>> -> memref<1x512xf32, #tpu.memory_space<hbm>>
      %dma_start3A_591 = tpu.memref_squeeze %dma_start3A_590 : memref<1x512xf32, #tpu.memory_space<hbm>> -> memref<512xf32, #tpu.memory_space<hbm>>
      %dma_start3A_592 = arith.constant 0 : i32
      %dma_start3A_593 = tpu.memref_slice %arg6[%squeeze3A_577, %dma_start3A_592] : memref<246x512xf32, #tpu.memory_space<vmem>> -> memref<1x512xf32, #tpu.memory_space<vmem>>
      %dma_start3A_594 = tpu.memref_squeeze %dma_start3A_593 : memref<1x512xf32, #tpu.memory_space<vmem>> -> memref<512xf32, #tpu.memory_space<vmem>>
      tpu.enqueue_dma source(%dma_start3A_594 : memref<512xf32, #tpu.memory_space<vmem>>) target(%dma_start3A_591 : memref<512xf32, #tpu.memory_space<hbm>>) target_semaphore(%arg8 : memref<!tpu.dma_semaphore, #tpu.memory_space<semaphore_mem>>)
      %slice3A_595 = vector.extract_strided_slice %get3A_331 {offsets = [14], sizes = [1], strides = [1]} : vector<16xi32> to vector<1xi32>
      %squeeze3A_596 = vector.extract %slice3A_595[0] : i32 from vector<1xi32>
      %mul3A_597 = arith.constant 16 : i32
      %mul3A_598 = arith.muli %scan3A_327, %mul3A_597 : i32
      %add3A_599 = arith.addi %mul3A_2, %mul3A_598 : i32
      %add3A_600 = arith.constant 14 : i32
      %add3A_601 = arith.addi %add3A_599, %add3A_600 : i32
      %dma_start3A_602 = arith.constant 0 : i32
      %dma_start3A_603 = tpu.memref_slice %arg6[%squeeze3A_596, %dma_start3A_602] : memref<246x512xf32, #tpu.memory_space<vmem>> -> memref<1x512xf32, #tpu.memory_space<vmem>>
      %dma_start3A_604 = tpu.memref_squeeze %dma_start3A_603 : memref<1x512xf32, #tpu.memory_space<vmem>> -> memref<512xf32, #tpu.memory_space<vmem>>
      %dma_start3A_605 = arith.constant 0 : i32
      %dma_start3A_606 = tpu.memref_slice %arg4[%add3A_601, %dma_start3A_605] : memref<16384x512xf32, #tpu.memory_space<hbm>> -> memref<1x512xf32, #tpu.memory_space<hbm>>
      %dma_start3A_607 = tpu.memref_squeeze %dma_start3A_606 : memref<1x512xf32, #tpu.memory_space<hbm>> -> memref<512xf32, #tpu.memory_space<hbm>>
      %dma_start3A_608 = arith.constant 0 : i32
      %dma_start3A_609 = tpu.memref_slice %arg4[%add3A_601, %dma_start3A_608] : memref<16384x512xf32, #tpu.memory_space<hbm>> -> memref<1x512xf32, #tpu.memory_space<hbm>>
      %dma_start3A_610 = tpu.memref_squeeze %dma_start3A_609 : memref<1x512xf32, #tpu.memory_space<hbm>> -> memref<512xf32, #tpu.memory_space<hbm>>
      %dma_start3A_611 = arith.constant 0 : i32
      %dma_start3A_612 = tpu.memref_slice %arg6[%squeeze3A_596, %dma_start3A_611] : memref<246x512xf32, #tpu.memory_space<vmem>> -> memref<1x512xf32, #tpu.memory_space<vmem>>
      %dma_start3A_613 = tpu.memref_squeeze %dma_start3A_612 : memref<1x512xf32, #tpu.memory_space<vmem>> -> memref<512xf32, #tpu.memory_space<vmem>>
      tpu.enqueue_dma source(%dma_start3A_613 : memref<512xf32, #tpu.memory_space<vmem>>) target(%dma_start3A_610 : memref<512xf32, #tpu.memory_space<hbm>>) target_semaphore(%arg8 : memref<!tpu.dma_semaphore, #tpu.memory_space<semaphore_mem>>)
      %slice3A_614 = vector.extract_strided_slice %get3A_331 {offsets = [15], sizes = [1], strides = [1]} : vector<16xi32> to vector<1xi32>
      %squeeze3A_615 = vector.extract %slice3A_614[0] : i32 from vector<1xi32>
      %mul3A_616 = arith.constant 16 : i32
      %mul3A_617 = arith.muli %scan3A_327, %mul3A_616 : i32
      %add3A_618 = arith.addi %mul3A_2, %mul3A_617 : i32
      %add3A_619 = arith.constant 15 : i32
      %add3A_620 = arith.addi %add3A_618, %add3A_619 : i32
      %dma_start3A_621 = arith.constant 0 : i32
      %dma_start3A_622 = tpu.memref_slice %arg6[%squeeze3A_615, %dma_start3A_621] : memref<246x512xf32, #tpu.memory_space<vmem>> -> memref<1x512xf32, #tpu.memory_space<vmem>>
      %dma_start3A_623 = tpu.memref_squeeze %dma_start3A_622 : memref<1x512xf32, #tpu.memory_space<vmem>> -> memref<512xf32, #tpu.memory_space<vmem>>
      %dma_start3A_624 = arith.constant 0 : i32
      %dma_start3A_625 = tpu.memref_slice %arg4[%add3A_620, %dma_start3A_624] : memref<16384x512xf32, #tpu.memory_space<hbm>> -> memref<1x512xf32, #tpu.memory_space<hbm>>
      %dma_start3A_626 = tpu.memref_squeeze %dma_start3A_625 : memref<1x512xf32, #tpu.memory_space<hbm>> -> memref<512xf32, #tpu.memory_space<hbm>>
      %dma_start3A_627 = arith.constant 0 : i32
      %dma_start3A_628 = tpu.memref_slice %arg4[%add3A_620, %dma_start3A_627] : memref<16384x512xf32, #tpu.memory_space<hbm>> -> memref<1x512xf32, #tpu.memory_space<hbm>>
      %dma_start3A_629 = tpu.memref_squeeze %dma_start3A_628 : memref<1x512xf32, #tpu.memory_space<hbm>> -> memref<512xf32, #tpu.memory_space<hbm>>
      %dma_start3A_630 = arith.constant 0 : i32
      %dma_start3A_631 = tpu.memref_slice %arg6[%squeeze3A_615, %dma_start3A_630] : memref<246x512xf32, #tpu.memory_space<vmem>> -> memref<1x512xf32, #tpu.memory_space<vmem>>
      %dma_start3A_632 = tpu.memref_squeeze %dma_start3A_631 : memref<1x512xf32, #tpu.memory_space<vmem>> -> memref<512xf32, #tpu.memory_space<vmem>>
      tpu.enqueue_dma source(%dma_start3A_632 : memref<512xf32, #tpu.memory_space<vmem>>) target(%dma_start3A_629 : memref<512xf32, #tpu.memory_space<hbm>>) target_semaphore(%arg8 : memref<!tpu.dma_semaphore, #tpu.memory_space<semaphore_mem>>)
    }
    %scan3A_7 = arith.constant 32 : i32
    %dma_wait3A = arith.constant 0 : i32
    %dma_wait3A_8 = arith.constant 0 : i32
    %dma_wait3A_9 = tpu.memref_slice %arg6[%dma_wait3A, %dma_wait3A_8] : memref<246x512xf32, #tpu.memory_space<vmem>> -> memref<16x512xf32, #tpu.memory_space<vmem>>
    %dma_wait3A_10 = arith.constant 0 : i32
    %dma_wait3A_11 = tpu.memref_slice %arg4[%mul3A_2, %dma_wait3A_10] : memref<16384x512xf32, #tpu.memory_space<hbm>> -> memref<16x512xf32, #tpu.memory_space<hbm>>
    %dma_wait3A_12 = arith.constant 0 : i32
    %dma_wait3A_13 = tpu.memref_slice %arg4[%mul3A_2, %dma_wait3A_12] : memref<16384x512xf32, #tpu.memory_space<hbm>> -> memref<16x512xf32, #tpu.memory_space<hbm>>
    %dma_wait3A_14 = arith.constant 0 : i32
    %dma_wait3A_15 = arith.constant 0 : i32
    %dma_wait3A_16 = tpu.memref_slice %arg6[%dma_wait3A_14, %dma_wait3A_15] : memref<246x512xf32, #tpu.memory_space<vmem>> -> memref<16x512xf32, #tpu.memory_space<vmem>>
    tpu.wait_dma2 semaphore(%arg8 : memref<!tpu.dma_semaphore, #tpu.memory_space<semaphore_mem>>) src(%dma_wait3A_16 : memref<16x512xf32, #tpu.memory_space<vmem>>) dst(%dma_wait3A_13 : memref<16x512xf32, #tpu.memory_space<hbm>>)
    %dma_wait3A_17 = arith.constant 0 : i32
    %dma_wait3A_18 = arith.constant 0 : i32
    %dma_wait3A_19 = tpu.memref_slice %arg6[%dma_wait3A_17, %dma_wait3A_18] : memref<246x512xf32, #tpu.memory_space<vmem>> -> memref<16x512xf32, #tpu.memory_space<vmem>>
    %dma_wait3A_20 = arith.constant 0 : i32
    %dma_wait3A_21 = tpu.memref_slice %arg4[%mul3A_2, %dma_wait3A_20] : memref<16384x512xf32, #tpu.memory_space<hbm>> -> memref<16x512xf32, #tpu.memory_space<hbm>>
    %dma_wait3A_22 = arith.constant 0 : i32
    %dma_wait3A_23 = tpu.memref_slice %arg4[%mul3A_2, %dma_wait3A_22] : memref<16384x512xf32, #tpu.memory_space<hbm>> -> memref<16x512xf32, #tpu.memory_space<hbm>>
    %dma_wait3A_24 = arith.constant 0 : i32
    %dma_wait3A_25 = arith.constant 0 : i32
    %dma_wait3A_26 = tpu.memref_slice %arg6[%dma_wait3A_24, %dma_wait3A_25] : memref<246x512xf32, #tpu.memory_space<vmem>> -> memref<16x512xf32, #tpu.memory_space<vmem>>
    tpu.wait_dma2 semaphore(%arg8 : memref<!tpu.dma_semaphore, #tpu.memory_space<semaphore_mem>>) src(%dma_wait3A_26 : memref<16x512xf32, #tpu.memory_space<vmem>>) dst(%dma_wait3A_23 : memref<16x512xf32, #tpu.memory_space<hbm>>)
    %dma_wait3A_27 = arith.constant 0 : i32
    %dma_wait3A_28 = arith.constant 0 : i32
    %dma_wait3A_29 = tpu.memref_slice %arg6[%dma_wait3A_27, %dma_wait3A_28] : memref<246x512xf32, #tpu.memory_space<vmem>> -> memref<16x512xf32, #tpu.memory_space<vmem>>
    %dma_wait3A_30 = arith.constant 0 : i32
    %dma_wait3A_31 = tpu.memref_slice %arg4[%mul3A_2, %dma_wait3A_30] : memref<16384x512xf32, #tpu.memory_space<hbm>> -> memref<16x512xf32, #tpu.memory_space<hbm>>
    %dma_wait3A_32 = arith.constant 0 : i32
    %dma_wait3A_33 = tpu.memref_slice %arg4[%mul3A_2, %dma_wait3A_32] : memref<16384x512xf32, #tpu.memory_space<hbm>> -> memref<16x512xf32, #tpu.memory_space<hbm>>
    %dma_wait3A_34 = arith.constant 0 : i32
    %dma_wait3A_35 = arith.constant 0 : i32
    %dma_wait3A_36 = tpu.memref_slice %arg6[%dma_wait3A_34, %dma_wait3A_35] : memref<246x512xf32, #tpu.memory_space<vmem>> -> memref<16x512xf32, #tpu.memory_space<vmem>>
    tpu.wait_dma2 semaphore(%arg8 : memref<!tpu.dma_semaphore, #tpu.memory_space<semaphore_mem>>) src(%dma_wait3A_36 : memref<16x512xf32, #tpu.memory_space<vmem>>) dst(%dma_wait3A_33 : memref<16x512xf32, #tpu.memory_space<hbm>>)
    %dma_wait3A_37 = arith.constant 0 : i32
    %dma_wait3A_38 = arith.constant 0 : i32
    %dma_wait3A_39 = tpu.memref_slice %arg6[%dma_wait3A_37, %dma_wait3A_38] : memref<246x512xf32, #tpu.memory_space<vmem>> -> memref<16x512xf32, #tpu.memory_space<vmem>>
    %dma_wait3A_40 = arith.constant 0 : i32
    %dma_wait3A_41 = tpu.memref_slice %arg4[%mul3A_2, %dma_wait3A_40] : memref<16384x512xf32, #tpu.memory_space<hbm>> -> memref<16x512xf32, #tpu.memory_space<hbm>>
    %dma_wait3A_42 = arith.constant 0 : i32
    %dma_wait3A_43 = tpu.memref_slice %arg4[%mul3A_2, %dma_wait3A_42] : memref<16384x512xf32, #tpu.memory_space<hbm>> -> memref<16x512xf32, #tpu.memory_space<hbm>>
    %dma_wait3A_44 = arith.constant 0 : i32
    %dma_wait3A_45 = arith.constant 0 : i32
    %dma_wait3A_46 = tpu.memref_slice %arg6[%dma_wait3A_44, %dma_wait3A_45] : memref<246x512xf32, #tpu.memory_space<vmem>> -> memref<16x512xf32, #tpu.memory_space<vmem>>
    tpu.wait_dma2 semaphore(%arg8 : memref<!tpu.dma_semaphore, #tpu.memory_space<semaphore_mem>>) src(%dma_wait3A_46 : memref<16x512xf32, #tpu.memory_space<vmem>>) dst(%dma_wait3A_43 : memref<16x512xf32, #tpu.memory_space<hbm>>)
    %dma_wait3A_47 = arith.constant 0 : i32
    %dma_wait3A_48 = arith.constant 0 : i32
    %dma_wait3A_49 = tpu.memref_slice %arg6[%dma_wait3A_47, %dma_wait3A_48] : memref<246x512xf32, #tpu.memory_space<vmem>> -> memref<16x512xf32, #tpu.memory_space<vmem>>
    %dma_wait3A_50 = arith.constant 0 : i32
    %dma_wait3A_51 = tpu.memref_slice %arg4[%mul3A_2, %dma_wait3A_50] : memref<16384x512xf32, #tpu.memory_space<hbm>> -> memref<16x512xf32, #tpu.memory_space<hbm>>
    %dma_wait3A_52 = arith.constant 0 : i32
    %dma_wait3A_53 = tpu.memref_slice %arg4[%mul3A_2, %dma_wait3A_52] : memref<16384x512xf32, #tpu.memory_space<hbm>> -> memref<16x512xf32, #tpu.memory_space<hbm>>
    %dma_wait3A_54 = arith.constant 0 : i32
    %dma_wait3A_55 = arith.constant 0 : i32
    %dma_wait3A_56 = tpu.memref_slice %arg6[%dma_wait3A_54, %dma_wait3A_55] : memref<246x512xf32, #tpu.memory_space<vmem>> -> memref<16x512xf32, #tpu.memory_space<vmem>>
    tpu.wait_dma2 semaphore(%arg8 : memref<!tpu.dma_semaphore, #tpu.memory_space<semaphore_mem>>) src(%dma_wait3A_56 : memref<16x512xf32, #tpu.memory_space<vmem>>) dst(%dma_wait3A_53 : memref<16x512xf32, #tpu.memory_space<hbm>>)
    %dma_wait3A_57 = arith.constant 0 : i32
    %dma_wait3A_58 = arith.constant 0 : i32
    %dma_wait3A_59 = tpu.memref_slice %arg6[%dma_wait3A_57, %dma_wait3A_58] : memref<246x512xf32, #tpu.memory_space<vmem>> -> memref<16x512xf32, #tpu.memory_space<vmem>>
    %dma_wait3A_60 = arith.constant 0 : i32
    %dma_wait3A_61 = tpu.memref_slice %arg4[%mul3A_2, %dma_wait3A_60] : memref<16384x512xf32, #tpu.memory_space<hbm>> -> memref<16x512xf32, #tpu.memory_space<hbm>>
    %dma_wait3A_62 = arith.constant 0 : i32
    %dma_wait3A_63 = tpu.memref_slice %arg4[%mul3A_2, %dma_wait3A_62] : memref<16384x512xf32, #tpu.memory_space<hbm>> -> memref<16x512xf32, #tpu.memory_space<hbm>>
    %dma_wait3A_64 = arith.constant 0 : i32
    %dma_wait3A_65 = arith.constant 0 : i32
    %dma_wait3A_66 = tpu.memref_slice %arg6[%dma_wait3A_64, %dma_wait3A_65] : memref<246x512xf32, #tpu.memory_space<vmem>> -> memref<16x512xf32, #tpu.memory_space<vmem>>
    tpu.wait_dma2 semaphore(%arg8 : memref<!tpu.dma_semaphore, #tpu.memory_space<semaphore_mem>>) src(%dma_wait3A_66 : memref<16x512xf32, #tpu.memory_space<vmem>>) dst(%dma_wait3A_63 : memref<16x512xf32, #tpu.memory_space<hbm>>)
    %dma_wait3A_67 = arith.constant 0 : i32
    %dma_wait3A_68 = arith.constant 0 : i32
    %dma_wait3A_69 = tpu.memref_slice %arg6[%dma_wait3A_67, %dma_wait3A_68] : memref<246x512xf32, #tpu.memory_space<vmem>> -> memref<16x512xf32, #tpu.memory_space<vmem>>
    %dma_wait3A_70 = arith.constant 0 : i32
    %dma_wait3A_71 = tpu.memref_slice %arg4[%mul3A_2, %dma_wait3A_70] : memref<16384x512xf32, #tpu.memory_space<hbm>> -> memref<16x512xf32, #tpu.memory_space<hbm>>
    %dma_wait3A_72 = arith.constant 0 : i32
    %dma_wait3A_73 = tpu.memref_slice %arg4[%mul3A_2, %dma_wait3A_72] : memref<16384x512xf32, #tpu.memory_space<hbm>> -> memref<16x512xf32, #tpu.memory_space<hbm>>
    %dma_wait3A_74 = arith.constant 0 : i32
    %dma_wait3A_75 = arith.constant 0 : i32
    %dma_wait3A_76 = tpu.memref_slice %arg6[%dma_wait3A_74, %dma_wait3A_75] : memref<246x512xf32, #tpu.memory_space<vmem>> -> memref<16x512xf32, #tpu.memory_space<vmem>>
    tpu.wait_dma2 semaphore(%arg8 : memref<!tpu.dma_semaphore, #tpu.memory_space<semaphore_mem>>) src(%dma_wait3A_76 : memref<16x512xf32, #tpu.memory_space<vmem>>) dst(%dma_wait3A_73 : memref<16x512xf32, #tpu.memory_space<hbm>>)
    %dma_wait3A_77 = arith.constant 0 : i32
    %dma_wait3A_78 = arith.constant 0 : i32
    %dma_wait3A_79 = tpu.memref_slice %arg6[%dma_wait3A_77, %dma_wait3A_78] : memref<246x512xf32, #tpu.memory_space<vmem>> -> memref<16x512xf32, #tpu.memory_space<vmem>>
    %dma_wait3A_80 = arith.constant 0 : i32
    %dma_wait3A_81 = tpu.memref_slice %arg4[%mul3A_2, %dma_wait3A_80] : memref<16384x512xf32, #tpu.memory_space<hbm>> -> memref<16x512xf32, #tpu.memory_space<hbm>>
    %dma_wait3A_82 = arith.constant 0 : i32
    %dma_wait3A_83 = tpu.memref_slice %arg4[%mul3A_2, %dma_wait3A_82] : memref<16384x512xf32, #tpu.memory_space<hbm>> -> memref<16x512xf32, #tpu.memory_space<hbm>>
    %dma_wait3A_84 = arith.constant 0 : i32
    %dma_wait3A_85 = arith.constant 0 : i32
    %dma_wait3A_86 = tpu.memref_slice %arg6[%dma_wait3A_84, %dma_wait3A_85] : memref<246x512xf32, #tpu.memory_space<vmem>> -> memref<16x512xf32, #tpu.memory_space<vmem>>
    tpu.wait_dma2 semaphore(%arg8 : memref<!tpu.dma_semaphore, #tpu.memory_space<semaphore_mem>>) src(%dma_wait3A_86 : memref<16x512xf32, #tpu.memory_space<vmem>>) dst(%dma_wait3A_83 : memref<16x512xf32, #tpu.memory_space<hbm>>)
    %dma_wait3A_87 = arith.constant 0 : i32
    %dma_wait3A_88 = arith.constant 0 : i32
    %dma_wait3A_89 = tpu.memref_slice %arg6[%dma_wait3A_87, %dma_wait3A_88] : memref<246x512xf32, #tpu.memory_space<vmem>> -> memref<16x512xf32, #tpu.memory_space<vmem>>
    %dma_wait3A_90 = arith.constant 0 : i32
    %dma_wait3A_91 = tpu.memref_slice %arg4[%mul3A_2, %dma_wait3A_90] : memref<16384x512xf32, #tpu.memory_space<hbm>> -> memref<16x512xf32, #tpu.memory_space<hbm>>
    %dma_wait3A_92 = arith.constant 0 : i32
    %dma_wait3A_93 = tpu.memref_slice %arg4[%mul3A_2, %dma_wait3A_92] : memref<16384x512xf32, #tpu.memory_space<hbm>> -> memref<16x512xf32, #tpu.memory_space<hbm>>
    %dma_wait3A_94 = arith.constant 0 : i32
    %dma_wait3A_95 = arith.constant 0 : i32
    %dma_wait3A_96 = tpu.memref_slice %arg6[%dma_wait3A_94, %dma_wait3A_95] : memref<246x512xf32, #tpu.memory_space<vmem>> -> memref<16x512xf32, #tpu.memory_space<vmem>>
    tpu.wait_dma2 semaphore(%arg8 : memref<!tpu.dma_semaphore, #tpu.memory_space<semaphore_mem>>) src(%dma_wait3A_96 : memref<16x512xf32, #tpu.memory_space<vmem>>) dst(%dma_wait3A_93 : memref<16x512xf32, #tpu.memory_space<hbm>>)
    %dma_wait3A_97 = arith.constant 0 : i32
    %dma_wait3A_98 = arith.constant 0 : i32
    %dma_wait3A_99 = tpu.memref_slice %arg6[%dma_wait3A_97, %dma_wait3A_98] : memref<246x512xf32, #tpu.memory_space<vmem>> -> memref<16x512xf32, #tpu.memory_space<vmem>>
    %dma_wait3A_100 = arith.constant 0 : i32
    %dma_wait3A_101 = tpu.memref_slice %arg4[%mul3A_2, %dma_wait3A_100] : memref<16384x512xf32, #tpu.memory_space<hbm>> -> memref<16x512xf32, #tpu.memory_space<hbm>>
    %dma_wait3A_102 = arith.constant 0 : i32
    %dma_wait3A_103 = tpu.memref_slice %arg4[%mul3A_2, %dma_wait3A_102] : memref<16384x512xf32, #tpu.memory_space<hbm>> -> memref<16x512xf32, #tpu.memory_space<hbm>>
    %dma_wait3A_104 = arith.constant 0 : i32
    %dma_wait3A_105 = arith.constant 0 : i32
    %dma_wait3A_106 = tpu.memref_slice %arg6[%dma_wait3A_104, %dma_wait3A_105] : memref<246x512xf32, #tpu.memory_space<vmem>> -> memref<16x512xf32, #tpu.memory_space<vmem>>
    tpu.wait_dma2 semaphore(%arg8 : memref<!tpu.dma_semaphore, #tpu.memory_space<semaphore_mem>>) src(%dma_wait3A_106 : memref<16x512xf32, #tpu.memory_space<vmem>>) dst(%dma_wait3A_103 : memref<16x512xf32, #tpu.memory_space<hbm>>)
    %dma_wait3A_107 = arith.constant 0 : i32
    %dma_wait3A_108 = arith.constant 0 : i32
    %dma_wait3A_109 = tpu.memref_slice %arg6[%dma_wait3A_107, %dma_wait3A_108] : memref<246x512xf32, #tpu.memory_space<vmem>> -> memref<16x512xf32, #tpu.memory_space<vmem>>
    %dma_wait3A_110 = arith.constant 0 : i32
    %dma_wait3A_111 = tpu.memref_slice %arg4[%mul3A_2, %dma_wait3A_110] : memref<16384x512xf32, #tpu.memory_space<hbm>> -> memref<16x512xf32, #tpu.memory_space<hbm>>
    %dma_wait3A_112 = arith.constant 0 : i32
    %dma_wait3A_113 = tpu.memref_slice %arg4[%mul3A_2, %dma_wait3A_112] : memref<16384x512xf32, #tpu.memory_space<hbm>> -> memref<16x512xf32, #tpu.memory_space<hbm>>
    %dma_wait3A_114 = arith.constant 0 : i32
    %dma_wait3A_115 = arith.constant 0 : i32
    %dma_wait3A_116 = tpu.memref_slice %arg6[%dma_wait3A_114, %dma_wait3A_115] : memref<246x512xf32, #tpu.memory_space<vmem>> -> memref<16x512xf32, #tpu.memory_space<vmem>>
    tpu.wait_dma2 semaphore(%arg8 : memref<!tpu.dma_semaphore, #tpu.memory_space<semaphore_mem>>) src(%dma_wait3A_116 : memref<16x512xf32, #tpu.memory_space<vmem>>) dst(%dma_wait3A_113 : memref<16x512xf32, #tpu.memory_space<hbm>>)
    %dma_wait3A_117 = arith.constant 0 : i32
    %dma_wait3A_118 = arith.constant 0 : i32
    %dma_wait3A_119 = tpu.memref_slice %arg6[%dma_wait3A_117, %dma_wait3A_118] : memref<246x512xf32, #tpu.memory_space<vmem>> -> memref<16x512xf32, #tpu.memory_space<vmem>>
    %dma_wait3A_120 = arith.constant 0 : i32
    %dma_wait3A_121 = tpu.memref_slice %arg4[%mul3A_2, %dma_wait3A_120] : memref<16384x512xf32, #tpu.memory_space<hbm>> -> memref<16x512xf32, #tpu.memory_space<hbm>>
    %dma_wait3A_122 = arith.constant 0 : i32
    %dma_wait3A_123 = tpu.memref_slice %arg4[%mul3A_2, %dma_wait3A_122] : memref<16384x512xf32, #tpu.memory_space<hbm>> -> memref<16x512xf32, #tpu.memory_space<hbm>>
    %dma_wait3A_124 = arith.constant 0 : i32
    %dma_wait3A_125 = arith.constant 0 : i32
    %dma_wait3A_126 = tpu.memref_slice %arg6[%dma_wait3A_124, %dma_wait3A_125] : memref<246x512xf32, #tpu.memory_space<vmem>> -> memref<16x512xf32, #tpu.memory_space<vmem>>
    tpu.wait_dma2 semaphore(%arg8 : memref<!tpu.dma_semaphore, #tpu.memory_space<semaphore_mem>>) src(%dma_wait3A_126 : memref<16x512xf32, #tpu.memory_space<vmem>>) dst(%dma_wait3A_123 : memref<16x512xf32, #tpu.memory_space<hbm>>)
    %dma_wait3A_127 = arith.constant 0 : i32
    %dma_wait3A_128 = arith.constant 0 : i32
    %dma_wait3A_129 = tpu.memref_slice %arg6[%dma_wait3A_127, %dma_wait3A_128] : memref<246x512xf32, #tpu.memory_space<vmem>> -> memref<16x512xf32, #tpu.memory_space<vmem>>
    %dma_wait3A_130 = arith.constant 0 : i32
    %dma_wait3A_131 = tpu.memref_slice %arg4[%mul3A_2, %dma_wait3A_130] : memref<16384x512xf32, #tpu.memory_space<hbm>> -> memref<16x512xf32, #tpu.memory_space<hbm>>
    %dma_wait3A_132 = arith.constant 0 : i32
    %dma_wait3A_133 = tpu.memref_slice %arg4[%mul3A_2, %dma_wait3A_132] : memref<16384x512xf32, #tpu.memory_space<hbm>> -> memref<16x512xf32, #tpu.memory_space<hbm>>
    %dma_wait3A_134 = arith.constant 0 : i32
    %dma_wait3A_135 = arith.constant 0 : i32
    %dma_wait3A_136 = tpu.memref_slice %arg6[%dma_wait3A_134, %dma_wait3A_135] : memref<246x512xf32, #tpu.memory_space<vmem>> -> memref<16x512xf32, #tpu.memory_space<vmem>>
    tpu.wait_dma2 semaphore(%arg8 : memref<!tpu.dma_semaphore, #tpu.memory_space<semaphore_mem>>) src(%dma_wait3A_136 : memref<16x512xf32, #tpu.memory_space<vmem>>) dst(%dma_wait3A_133 : memref<16x512xf32, #tpu.memory_space<hbm>>)
    %dma_wait3A_137 = arith.constant 0 : i32
    %dma_wait3A_138 = arith.constant 0 : i32
    %dma_wait3A_139 = tpu.memref_slice %arg6[%dma_wait3A_137, %dma_wait3A_138] : memref<246x512xf32, #tpu.memory_space<vmem>> -> memref<16x512xf32, #tpu.memory_space<vmem>>
    %dma_wait3A_140 = arith.constant 0 : i32
    %dma_wait3A_141 = tpu.memref_slice %arg4[%mul3A_2, %dma_wait3A_140] : memref<16384x512xf32, #tpu.memory_space<hbm>> -> memref<16x512xf32, #tpu.memory_space<hbm>>
    %dma_wait3A_142 = arith.constant 0 : i32
    %dma_wait3A_143 = tpu.memref_slice %arg4[%mul3A_2, %dma_wait3A_142] : memref<16384x512xf32, #tpu.memory_space<hbm>> -> memref<16x512xf32, #tpu.memory_space<hbm>>
    %dma_wait3A_144 = arith.constant 0 : i32
    %dma_wait3A_145 = arith.constant 0 : i32
    %dma_wait3A_146 = tpu.memref_slice %arg6[%dma_wait3A_144, %dma_wait3A_145] : memref<246x512xf32, #tpu.memory_space<vmem>> -> memref<16x512xf32, #tpu.memory_space<vmem>>
    tpu.wait_dma2 semaphore(%arg8 : memref<!tpu.dma_semaphore, #tpu.memory_space<semaphore_mem>>) src(%dma_wait3A_146 : memref<16x512xf32, #tpu.memory_space<vmem>>) dst(%dma_wait3A_143 : memref<16x512xf32, #tpu.memory_space<hbm>>)
    %dma_wait3A_147 = arith.constant 0 : i32
    %dma_wait3A_148 = arith.constant 0 : i32
    %dma_wait3A_149 = tpu.memref_slice %arg6[%dma_wait3A_147, %dma_wait3A_148] : memref<246x512xf32, #tpu.memory_space<vmem>> -> memref<16x512xf32, #tpu.memory_space<vmem>>
    %dma_wait3A_150 = arith.constant 0 : i32
    %dma_wait3A_151 = tpu.memref_slice %arg4[%mul3A_2, %dma_wait3A_150] : memref<16384x512xf32, #tpu.memory_space<hbm>> -> memref<16x512xf32, #tpu.memory_space<hbm>>
    %dma_wait3A_152 = arith.constant 0 : i32
    %dma_wait3A_153 = tpu.memref_slice %arg4[%mul3A_2, %dma_wait3A_152] : memref<16384x512xf32, #tpu.memory_space<hbm>> -> memref<16x512xf32, #tpu.memory_space<hbm>>
    %dma_wait3A_154 = arith.constant 0 : i32
    %dma_wait3A_155 = arith.constant 0 : i32
    %dma_wait3A_156 = tpu.memref_slice %arg6[%dma_wait3A_154, %dma_wait3A_155] : memref<246x512xf32, #tpu.memory_space<vmem>> -> memref<16x512xf32, #tpu.memory_space<vmem>>
    tpu.wait_dma2 semaphore(%arg8 : memref<!tpu.dma_semaphore, #tpu.memory_space<semaphore_mem>>) src(%dma_wait3A_156 : memref<16x512xf32, #tpu.memory_space<vmem>>) dst(%dma_wait3A_153 : memref<16x512xf32, #tpu.memory_space<hbm>>)
    %dma_wait3A_157 = arith.constant 0 : i32
    %dma_wait3A_158 = arith.constant 0 : i32
    %dma_wait3A_159 = tpu.memref_slice %arg6[%dma_wait3A_157, %dma_wait3A_158] : memref<246x512xf32, #tpu.memory_space<vmem>> -> memref<16x512xf32, #tpu.memory_space<vmem>>
    %dma_wait3A_160 = arith.constant 0 : i32
    %dma_wait3A_161 = tpu.memref_slice %arg4[%mul3A_2, %dma_wait3A_160] : memref<16384x512xf32, #tpu.memory_space<hbm>> -> memref<16x512xf32, #tpu.memory_space<hbm>>
    %dma_wait3A_162 = arith.constant 0 : i32
    %dma_wait3A_163 = tpu.memref_slice %arg4[%mul3A_2, %dma_wait3A_162] : memref<16384x512xf32, #tpu.memory_space<hbm>> -> memref<16x512xf32, #tpu.memory_space<hbm>>
    %dma_wait3A_164 = arith.constant 0 : i32
    %dma_wait3A_165 = arith.constant 0 : i32
    %dma_wait3A_166 = tpu.memref_slice %arg6[%dma_wait3A_164, %dma_wait3A_165] : memref<246x512xf32, #tpu.memory_space<vmem>> -> memref<16x512xf32, #tpu.memory_space<vmem>>
    tpu.wait_dma2 semaphore(%arg8 : memref<!tpu.dma_semaphore, #tpu.memory_space<semaphore_mem>>) src(%dma_wait3A_166 : memref<16x512xf32, #tpu.memory_space<vmem>>) dst(%dma_wait3A_163 : memref<16x512xf32, #tpu.memory_space<hbm>>)
    %dma_wait3A_167 = arith.constant 0 : i32
    %dma_wait3A_168 = arith.constant 0 : i32
    %dma_wait3A_169 = tpu.memref_slice %arg6[%dma_wait3A_167, %dma_wait3A_168] : memref<246x512xf32, #tpu.memory_space<vmem>> -> memref<16x512xf32, #tpu.memory_space<vmem>>
    %dma_wait3A_170 = arith.constant 0 : i32
    %dma_wait3A_171 = tpu.memref_slice %arg4[%mul3A_2, %dma_wait3A_170] : memref<16384x512xf32, #tpu.memory_space<hbm>> -> memref<16x512xf32, #tpu.memory_space<hbm>>
    %dma_wait3A_172 = arith.constant 0 : i32
    %dma_wait3A_173 = tpu.memref_slice %arg4[%mul3A_2, %dma_wait3A_172] : memref<16384x512xf32, #tpu.memory_space<hbm>> -> memref<16x512xf32, #tpu.memory_space<hbm>>
    %dma_wait3A_174 = arith.constant 0 : i32
    %dma_wait3A_175 = arith.constant 0 : i32
    %dma_wait3A_176 = tpu.memref_slice %arg6[%dma_wait3A_174, %dma_wait3A_175] : memref<246x512xf32, #tpu.memory_space<vmem>> -> memref<16x512xf32, #tpu.memory_space<vmem>>
    tpu.wait_dma2 semaphore(%arg8 : memref<!tpu.dma_semaphore, #tpu.memory_space<semaphore_mem>>) src(%dma_wait3A_176 : memref<16x512xf32, #tpu.memory_space<vmem>>) dst(%dma_wait3A_173 : memref<16x512xf32, #tpu.memory_space<hbm>>)
    %dma_wait3A_177 = arith.constant 0 : i32
    %dma_wait3A_178 = arith.constant 0 : i32
    %dma_wait3A_179 = tpu.memref_slice %arg6[%dma_wait3A_177, %dma_wait3A_178] : memref<246x512xf32, #tpu.memory_space<vmem>> -> memref<16x512xf32, #tpu.memory_space<vmem>>
    %dma_wait3A_180 = arith.constant 0 : i32
    %dma_wait3A_181 = tpu.memref_slice %arg4[%mul3A_2, %dma_wait3A_180] : memref<16384x512xf32, #tpu.memory_space<hbm>> -> memref<16x512xf32, #tpu.memory_space<hbm>>
    %dma_wait3A_182 = arith.constant 0 : i32
    %dma_wait3A_183 = tpu.memref_slice %arg4[%mul3A_2, %dma_wait3A_182] : memref<16384x512xf32, #tpu.memory_space<hbm>> -> memref<16x512xf32, #tpu.memory_space<hbm>>
    %dma_wait3A_184 = arith.constant 0 : i32
    %dma_wait3A_185 = arith.constant 0 : i32
    %dma_wait3A_186 = tpu.memref_slice %arg6[%dma_wait3A_184, %dma_wait3A_185] : memref<246x512xf32, #tpu.memory_space<vmem>> -> memref<16x512xf32, #tpu.memory_space<vmem>>
    tpu.wait_dma2 semaphore(%arg8 : memref<!tpu.dma_semaphore, #tpu.memory_space<semaphore_mem>>) src(%dma_wait3A_186 : memref<16x512xf32, #tpu.memory_space<vmem>>) dst(%dma_wait3A_183 : memref<16x512xf32, #tpu.memory_space<hbm>>)
    %dma_wait3A_187 = arith.constant 0 : i32
    %dma_wait3A_188 = arith.constant 0 : i32
    %dma_wait3A_189 = tpu.memref_slice %arg6[%dma_wait3A_187, %dma_wait3A_188] : memref<246x512xf32, #tpu.memory_space<vmem>> -> memref<16x512xf32, #tpu.memory_space<vmem>>
    %dma_wait3A_190 = arith.constant 0 : i32
    %dma_wait3A_191 = tpu.memref_slice %arg4[%mul3A_2, %dma_wait3A_190] : memref<16384x512xf32, #tpu.memory_space<hbm>> -> memref<16x512xf32, #tpu.memory_space<hbm>>
    %dma_wait3A_192 = arith.constant 0 : i32
    %dma_wait3A_193 = tpu.memref_slice %arg4[%mul3A_2, %dma_wait3A_192] : memref<16384x512xf32, #tpu.memory_space<hbm>> -> memref<16x512xf32, #tpu.memory_space<hbm>>
    %dma_wait3A_194 = arith.constant 0 : i32
    %dma_wait3A_195 = arith.constant 0 : i32
    %dma_wait3A_196 = tpu.memref_slice %arg6[%dma_wait3A_194, %dma_wait3A_195] : memref<246x512xf32, #tpu.memory_space<vmem>> -> memref<16x512xf32, #tpu.memory_space<vmem>>
    tpu.wait_dma2 semaphore(%arg8 : memref<!tpu.dma_semaphore, #tpu.memory_space<semaphore_mem>>) src(%dma_wait3A_196 : memref<16x512xf32, #tpu.memory_space<vmem>>) dst(%dma_wait3A_193 : memref<16x512xf32, #tpu.memory_space<hbm>>)
    %dma_wait3A_197 = arith.constant 0 : i32
    %dma_wait3A_198 = arith.constant 0 : i32
    %dma_wait3A_199 = tpu.memref_slice %arg6[%dma_wait3A_197, %dma_wait3A_198] : memref<246x512xf32, #tpu.memory_space<vmem>> -> memref<16x512xf32, #tpu.memory_space<vmem>>
    %dma_wait3A_200 = arith.constant 0 : i32
    %dma_wait3A_201 = tpu.memref_slice %arg4[%mul3A_2, %dma_wait3A_200] : memref<16384x512xf32, #tpu.memory_space<hbm>> -> memref<16x512xf32, #tpu.memory_space<hbm>>
    %dma_wait3A_202 = arith.constant 0 : i32
    %dma_wait3A_203 = tpu.memref_slice %arg4[%mul3A_2, %dma_wait3A_202] : memref<16384x512xf32, #tpu.memory_space<hbm>> -> memref<16x512xf32, #tpu.memory_space<hbm>>
    %dma_wait3A_204 = arith.constant 0 : i32
    %dma_wait3A_205 = arith.constant 0 : i32
    %dma_wait3A_206 = tpu.memref_slice %arg6[%dma_wait3A_204, %dma_wait3A_205] : memref<246x512xf32, #tpu.memory_space<vmem>> -> memref<16x512xf32, #tpu.memory_space<vmem>>
    tpu.wait_dma2 semaphore(%arg8 : memref<!tpu.dma_semaphore, #tpu.memory_space<semaphore_mem>>) src(%dma_wait3A_206 : memref<16x512xf32, #tpu.memory_space<vmem>>) dst(%dma_wait3A_203 : memref<16x512xf32, #tpu.memory_space<hbm>>)
    %dma_wait3A_207 = arith.constant 0 : i32
    %dma_wait3A_208 = arith.constant 0 : i32
    %dma_wait3A_209 = tpu.memref_slice %arg6[%dma_wait3A_207, %dma_wait3A_208] : memref<246x512xf32, #tpu.memory_space<vmem>> -> memref<16x512xf32, #tpu.memory_space<vmem>>
    %dma_wait3A_210 = arith.constant 0 : i32
    %dma_wait3A_211 = tpu.memref_slice %arg4[%mul3A_2, %dma_wait3A_210] : memref<16384x512xf32, #tpu.memory_space<hbm>> -> memref<16x512xf32, #tpu.memory_space<hbm>>
    %dma_wait3A_212 = arith.constant 0 : i32
    %dma_wait3A_213 = tpu.memref_slice %arg4[%mul3A_2, %dma_wait3A_212] : memref<16384x512xf32, #tpu.memory_space<hbm>> -> memref<16x512xf32, #tpu.memory_space<hbm>>
    %dma_wait3A_214 = arith.constant 0 : i32
    %dma_wait3A_215 = arith.constant 0 : i32
    %dma_wait3A_216 = tpu.memref_slice %arg6[%dma_wait3A_214, %dma_wait3A_215] : memref<246x512xf32, #tpu.memory_space<vmem>> -> memref<16x512xf32, #tpu.memory_space<vmem>>
    tpu.wait_dma2 semaphore(%arg8 : memref<!tpu.dma_semaphore, #tpu.memory_space<semaphore_mem>>) src(%dma_wait3A_216 : memref<16x512xf32, #tpu.memory_space<vmem>>) dst(%dma_wait3A_213 : memref<16x512xf32, #tpu.memory_space<hbm>>)
    %dma_wait3A_217 = arith.constant 0 : i32
    %dma_wait3A_218 = arith.constant 0 : i32
    %dma_wait3A_219 = tpu.memref_slice %arg6[%dma_wait3A_217, %dma_wait3A_218] : memref<246x512xf32, #tpu.memory_space<vmem>> -> memref<16x512xf32, #tpu.memory_space<vmem>>
    %dma_wait3A_220 = arith.constant 0 : i32
    %dma_wait3A_221 = tpu.memref_slice %arg4[%mul3A_2, %dma_wait3A_220] : memref<16384x512xf32, #tpu.memory_space<hbm>> -> memref<16x512xf32, #tpu.memory_space<hbm>>
    %dma_wait3A_222 = arith.constant 0 : i32
    %dma_wait3A_223 = tpu.memref_slice %arg4[%mul3A_2, %dma_wait3A_222] : memref<16384x512xf32, #tpu.memory_space<hbm>> -> memref<16x512xf32, #tpu.memory_space<hbm>>
    %dma_wait3A_224 = arith.constant 0 : i32
    %dma_wait3A_225 = arith.constant 0 : i32
    %dma_wait3A_226 = tpu.memref_slice %arg6[%dma_wait3A_224, %dma_wait3A_225] : memref<246x512xf32, #tpu.memory_space<vmem>> -> memref<16x512xf32, #tpu.memory_space<vmem>>
    tpu.wait_dma2 semaphore(%arg8 : memref<!tpu.dma_semaphore, #tpu.memory_space<semaphore_mem>>) src(%dma_wait3A_226 : memref<16x512xf32, #tpu.memory_space<vmem>>) dst(%dma_wait3A_223 : memref<16x512xf32, #tpu.memory_space<hbm>>)
    %dma_wait3A_227 = arith.constant 0 : i32
    %dma_wait3A_228 = arith.constant 0 : i32
    %dma_wait3A_229 = tpu.memref_slice %arg6[%dma_wait3A_227, %dma_wait3A_228] : memref<246x512xf32, #tpu.memory_space<vmem>> -> memref<16x512xf32, #tpu.memory_space<vmem>>
    %dma_wait3A_230 = arith.constant 0 : i32
    %dma_wait3A_231 = tpu.memref_slice %arg4[%mul3A_2, %dma_wait3A_230] : memref<16384x512xf32, #tpu.memory_space<hbm>> -> memref<16x512xf32, #tpu.memory_space<hbm>>
    %dma_wait3A_232 = arith.constant 0 : i32
    %dma_wait3A_233 = tpu.memref_slice %arg4[%mul3A_2, %dma_wait3A_232] : memref<16384x512xf32, #tpu.memory_space<hbm>> -> memref<16x512xf32, #tpu.memory_space<hbm>>
    %dma_wait3A_234 = arith.constant 0 : i32
    %dma_wait3A_235 = arith.constant 0 : i32
    %dma_wait3A_236 = tpu.memref_slice %arg6[%dma_wait3A_234, %dma_wait3A_235] : memref<246x512xf32, #tpu.memory_space<vmem>> -> memref<16x512xf32, #tpu.memory_space<vmem>>
    tpu.wait_dma2 semaphore(%arg8 : memref<!tpu.dma_semaphore, #tpu.memory_space<semaphore_mem>>) src(%dma_wait3A_236 : memref<16x512xf32, #tpu.memory_space<vmem>>) dst(%dma_wait3A_233 : memref<16x512xf32, #tpu.memory_space<hbm>>)
    %dma_wait3A_237 = arith.constant 0 : i32
    %dma_wait3A_238 = arith.constant 0 : i32
    %dma_wait3A_239 = tpu.memref_slice %arg6[%dma_wait3A_237, %dma_wait3A_238] : memref<246x512xf32, #tpu.memory_space<vmem>> -> memref<16x512xf32, #tpu.memory_space<vmem>>
    %dma_wait3A_240 = arith.constant 0 : i32
    %dma_wait3A_241 = tpu.memref_slice %arg4[%mul3A_2, %dma_wait3A_240] : memref<16384x512xf32, #tpu.memory_space<hbm>> -> memref<16x512xf32, #tpu.memory_space<hbm>>
    %dma_wait3A_242 = arith.constant 0 : i32
    %dma_wait3A_243 = tpu.memref_slice %arg4[%mul3A_2, %dma_wait3A_242] : memref<16384x512xf32, #tpu.memory_space<hbm>> -> memref<16x512xf32, #tpu.memory_space<hbm>>
    %dma_wait3A_244 = arith.constant 0 : i32
    %dma_wait3A_245 = arith.constant 0 : i32
    %dma_wait3A_246 = tpu.memref_slice %arg6[%dma_wait3A_244, %dma_wait3A_245] : memref<246x512xf32, #tpu.memory_space<vmem>> -> memref<16x512xf32, #tpu.memory_space<vmem>>
    tpu.wait_dma2 semaphore(%arg8 : memref<!tpu.dma_semaphore, #tpu.memory_space<semaphore_mem>>) src(%dma_wait3A_246 : memref<16x512xf32, #tpu.memory_space<vmem>>) dst(%dma_wait3A_243 : memref<16x512xf32, #tpu.memory_space<hbm>>)
    %dma_wait3A_247 = arith.constant 0 : i32
    %dma_wait3A_248 = arith.constant 0 : i32
    %dma_wait3A_249 = tpu.memref_slice %arg6[%dma_wait3A_247, %dma_wait3A_248] : memref<246x512xf32, #tpu.memory_space<vmem>> -> memref<16x512xf32, #tpu.memory_space<vmem>>
    %dma_wait3A_250 = arith.constant 0 : i32
    %dma_wait3A_251 = tpu.memref_slice %arg4[%mul3A_2, %dma_wait3A_250] : memref<16384x512xf32, #tpu.memory_space<hbm>> -> memref<16x512xf32, #tpu.memory_space<hbm>>
    %dma_wait3A_252 = arith.constant 0 : i32
    %dma_wait3A_253 = tpu.memref_slice %arg4[%mul3A_2, %dma_wait3A_252] : memref<16384x512xf32, #tpu.memory_space<hbm>> -> memref<16x512xf32, #tpu.memory_space<hbm>>
    %dma_wait3A_254 = arith.constant 0 : i32
    %dma_wait3A_255 = arith.constant 0 : i32
    %dma_wait3A_256 = tpu.memref_slice %arg6[%dma_wait3A_254, %dma_wait3A_255] : memref<246x512xf32, #tpu.memory_space<vmem>> -> memref<16x512xf32, #tpu.memory_space<vmem>>
    tpu.wait_dma2 semaphore(%arg8 : memref<!tpu.dma_semaphore, #tpu.memory_space<semaphore_mem>>) src(%dma_wait3A_256 : memref<16x512xf32, #tpu.memory_space<vmem>>) dst(%dma_wait3A_253 : memref<16x512xf32, #tpu.memory_space<hbm>>)
    %dma_wait3A_257 = arith.constant 0 : i32
    %dma_wait3A_258 = arith.constant 0 : i32
    %dma_wait3A_259 = tpu.memref_slice %arg6[%dma_wait3A_257, %dma_wait3A_258] : memref<246x512xf32, #tpu.memory_space<vmem>> -> memref<16x512xf32, #tpu.memory_space<vmem>>
    %dma_wait3A_260 = arith.constant 0 : i32
    %dma_wait3A_261 = tpu.memref_slice %arg4[%mul3A_2, %dma_wait3A_260] : memref<16384x512xf32, #tpu.memory_space<hbm>> -> memref<16x512xf32, #tpu.memory_space<hbm>>
    %dma_wait3A_262 = arith.constant 0 : i32
    %dma_wait3A_263 = tpu.memref_slice %arg4[%mul3A_2, %dma_wait3A_262] : memref<16384x512xf32, #tpu.memory_space<hbm>> -> memref<16x512xf32, #tpu.memory_space<hbm>>
    %dma_wait3A_264 = arith.constant 0 : i32
    %dma_wait3A_265 = arith.constant 0 : i32
    %dma_wait3A_266 = tpu.memref_slice %arg6[%dma_wait3A_264, %dma_wait3A_265] : memref<246x512xf32, #tpu.memory_space<vmem>> -> memref<16x512xf32, #tpu.memory_space<vmem>>
    tpu.wait_dma2 semaphore(%arg8 : memref<!tpu.dma_semaphore, #tpu.memory_space<semaphore_mem>>) src(%dma_wait3A_266 : memref<16x512xf32, #tpu.memory_space<vmem>>) dst(%dma_wait3A_263 : memref<16x512xf32, #tpu.memory_space<hbm>>)
    %dma_wait3A_267 = arith.constant 0 : i32
    %dma_wait3A_268 = arith.constant 0 : i32
    %dma_wait3A_269 = tpu.memref_slice %arg6[%dma_wait3A_267, %dma_wait3A_268] : memref<246x512xf32, #tpu.memory_space<vmem>> -> memref<16x512xf32, #tpu.memory_space<vmem>>
    %dma_wait3A_270 = arith.constant 0 : i32
    %dma_wait3A_271 = tpu.memref_slice %arg4[%mul3A_2, %dma_wait3A_270] : memref<16384x512xf32, #tpu.memory_space<hbm>> -> memref<16x512xf32, #tpu.memory_space<hbm>>
    %dma_wait3A_272 = arith.constant 0 : i32
    %dma_wait3A_273 = tpu.memref_slice %arg4[%mul3A_2, %dma_wait3A_272] : memref<16384x512xf32, #tpu.memory_space<hbm>> -> memref<16x512xf32, #tpu.memory_space<hbm>>
    %dma_wait3A_274 = arith.constant 0 : i32
    %dma_wait3A_275 = arith.constant 0 : i32
    %dma_wait3A_276 = tpu.memref_slice %arg6[%dma_wait3A_274, %dma_wait3A_275] : memref<246x512xf32, #tpu.memory_space<vmem>> -> memref<16x512xf32, #tpu.memory_space<vmem>>
    tpu.wait_dma2 semaphore(%arg8 : memref<!tpu.dma_semaphore, #tpu.memory_space<semaphore_mem>>) src(%dma_wait3A_276 : memref<16x512xf32, #tpu.memory_space<vmem>>) dst(%dma_wait3A_273 : memref<16x512xf32, #tpu.memory_space<hbm>>)
    %dma_wait3A_277 = arith.constant 0 : i32
    %dma_wait3A_278 = arith.constant 0 : i32
    %dma_wait3A_279 = tpu.memref_slice %arg6[%dma_wait3A_277, %dma_wait3A_278] : memref<246x512xf32, #tpu.memory_space<vmem>> -> memref<16x512xf32, #tpu.memory_space<vmem>>
    %dma_wait3A_280 = arith.constant 0 : i32
    %dma_wait3A_281 = tpu.memref_slice %arg4[%mul3A_2, %dma_wait3A_280] : memref<16384x512xf32, #tpu.memory_space<hbm>> -> memref<16x512xf32, #tpu.memory_space<hbm>>
    %dma_wait3A_282 = arith.constant 0 : i32
    %dma_wait3A_283 = tpu.memref_slice %arg4[%mul3A_2, %dma_wait3A_282] : memref<16384x512xf32, #tpu.memory_space<hbm>> -> memref<16x512xf32, #tpu.memory_space<hbm>>
    %dma_wait3A_284 = arith.constant 0 : i32
    %dma_wait3A_285 = arith.constant 0 : i32
    %dma_wait3A_286 = tpu.memref_slice %arg6[%dma_wait3A_284, %dma_wait3A_285] : memref<246x512xf32, #tpu.memory_space<vmem>> -> memref<16x512xf32, #tpu.memory_space<vmem>>
    tpu.wait_dma2 semaphore(%arg8 : memref<!tpu.dma_semaphore, #tpu.memory_space<semaphore_mem>>) src(%dma_wait3A_286 : memref<16x512xf32, #tpu.memory_space<vmem>>) dst(%dma_wait3A_283 : memref<16x512xf32, #tpu.memory_space<hbm>>)
    %dma_wait3A_287 = arith.constant 0 : i32
    %dma_wait3A_288 = arith.constant 0 : i32
    %dma_wait3A_289 = tpu.memref_slice %arg6[%dma_wait3A_287, %dma_wait3A_288] : memref<246x512xf32, #tpu.memory_space<vmem>> -> memref<16x512xf32, #tpu.memory_space<vmem>>
    %dma_wait3A_290 = arith.constant 0 : i32
    %dma_wait3A_291 = tpu.memref_slice %arg4[%mul3A_2, %dma_wait3A_290] : memref<16384x512xf32, #tpu.memory_space<hbm>> -> memref<16x512xf32, #tpu.memory_space<hbm>>
    %dma_wait3A_292 = arith.constant 0 : i32
    %dma_wait3A_293 = tpu.memref_slice %arg4[%mul3A_2, %dma_wait3A_292] : memref<16384x512xf32, #tpu.memory_space<hbm>> -> memref<16x512xf32, #tpu.memory_space<hbm>>
    %dma_wait3A_294 = arith.constant 0 : i32
    %dma_wait3A_295 = arith.constant 0 : i32
    %dma_wait3A_296 = tpu.memref_slice %arg6[%dma_wait3A_294, %dma_wait3A_295] : memref<246x512xf32, #tpu.memory_space<vmem>> -> memref<16x512xf32, #tpu.memory_space<vmem>>
    tpu.wait_dma2 semaphore(%arg8 : memref<!tpu.dma_semaphore, #tpu.memory_space<semaphore_mem>>) src(%dma_wait3A_296 : memref<16x512xf32, #tpu.memory_space<vmem>>) dst(%dma_wait3A_293 : memref<16x512xf32, #tpu.memory_space<hbm>>)
    %dma_wait3A_297 = arith.constant 0 : i32
    %dma_wait3A_298 = arith.constant 0 : i32
    %dma_wait3A_299 = tpu.memref_slice %arg6[%dma_wait3A_297, %dma_wait3A_298] : memref<246x512xf32, #tpu.memory_space<vmem>> -> memref<16x512xf32, #tpu.memory_space<vmem>>
    %dma_wait3A_300 = arith.constant 0 : i32
    %dma_wait3A_301 = tpu.memref_slice %arg4[%mul3A_2, %dma_wait3A_300] : memref<16384x512xf32, #tpu.memory_space<hbm>> -> memref<16x512xf32, #tpu.memory_space<hbm>>
    %dma_wait3A_302 = arith.constant 0 : i32
    %dma_wait3A_303 = tpu.memref_slice %arg4[%mul3A_2, %dma_wait3A_302] : memref<16384x512xf32, #tpu.memory_space<hbm>> -> memref<16x512xf32, #tpu.memory_space<hbm>>
    %dma_wait3A_304 = arith.constant 0 : i32
    %dma_wait3A_305 = arith.constant 0 : i32
    %dma_wait3A_306 = tpu.memref_slice %arg6[%dma_wait3A_304, %dma_wait3A_305] : memref<246x512xf32, #tpu.memory_space<vmem>> -> memref<16x512xf32, #tpu.memory_space<vmem>>
    tpu.wait_dma2 semaphore(%arg8 : memref<!tpu.dma_semaphore, #tpu.memory_space<semaphore_mem>>) src(%dma_wait3A_306 : memref<16x512xf32, #tpu.memory_space<vmem>>) dst(%dma_wait3A_303 : memref<16x512xf32, #tpu.memory_space<hbm>>)
    %dma_wait3A_307 = arith.constant 0 : i32
    %dma_wait3A_308 = arith.constant 0 : i32
    %dma_wait3A_309 = tpu.memref_slice %arg6[%dma_wait3A_307, %dma_wait3A_308] : memref<246x512xf32, #tpu.memory_space<vmem>> -> memref<16x512xf32, #tpu.memory_space<vmem>>
    %dma_wait3A_310 = arith.constant 0 : i32
    %dma_wait3A_311 = tpu.memref_slice %arg4[%mul3A_2, %dma_wait3A_310] : memref<16384x512xf32, #tpu.memory_space<hbm>> -> memref<16x512xf32, #tpu.memory_space<hbm>>
    %dma_wait3A_312 = arith.constant 0 : i32
    %dma_wait3A_313 = tpu.memref_slice %arg4[%mul3A_2, %dma_wait3A_312] : memref<16384x512xf32, #tpu.memory_space<hbm>> -> memref<16x512xf32, #tpu.memory_space<hbm>>
    %dma_wait3A_314 = arith.constant 0 : i32
    %dma_wait3A_315 = arith.constant 0 : i32
    %dma_wait3A_316 = tpu.memref_slice %arg6[%dma_wait3A_314, %dma_wait3A_315] : memref<246x512xf32, #tpu.memory_space<vmem>> -> memref<16x512xf32, #tpu.memory_space<vmem>>
    tpu.wait_dma2 semaphore(%arg8 : memref<!tpu.dma_semaphore, #tpu.memory_space<semaphore_mem>>) src(%dma_wait3A_316 : memref<16x512xf32, #tpu.memory_space<vmem>>) dst(%dma_wait3A_313 : memref<16x512xf32, #tpu.memory_space<hbm>>)
    %dma_wait3A_317 = arith.constant 0 : i32
    %dma_wait3A_318 = arith.constant 0 : i32
    %dma_wait3A_319 = tpu.memref_slice %arg6[%dma_wait3A_317, %dma_wait3A_318] : memref<246x512xf32, #tpu.memory_space<vmem>> -> memref<16x512xf32, #tpu.memory_space<vmem>>
    %dma_wait3A_320 = arith.constant 0 : i32
    %dma_wait3A_321 = tpu.memref_slice %arg4[%mul3A_2, %dma_wait3A_320] : memref<16384x512xf32, #tpu.memory_space<hbm>> -> memref<16x512xf32, #tpu.memory_space<hbm>>
    %dma_wait3A_322 = arith.constant 0 : i32
    %dma_wait3A_323 = tpu.memref_slice %arg4[%mul3A_2, %dma_wait3A_322] : memref<16384x512xf32, #tpu.memory_space<hbm>> -> memref<16x512xf32, #tpu.memory_space<hbm>>
    %dma_wait3A_324 = arith.constant 0 : i32
    %dma_wait3A_325 = arith.constant 0 : i32
    %dma_wait3A_326 = tpu.memref_slice %arg6[%dma_wait3A_324, %dma_wait3A_325] : memref<246x512xf32, #tpu.memory_space<vmem>> -> memref<16x512xf32, #tpu.memory_space<vmem>>
    tpu.wait_dma2 semaphore(%arg8 : memref<!tpu.dma_semaphore, #tpu.memory_space<semaphore_mem>>) src(%dma_wait3A_326 : memref<16x512xf32, #tpu.memory_space<vmem>>) dst(%dma_wait3A_323 : memref<16x512xf32, #tpu.memory_space<hbm>>)
    return
  }
}

module attributes {stable_mosaic.version = 14 : i64} {
  func.func @_project_body(%arg0: memref<246x512xf32, #tpu.memory_space<vmem>>, %arg1: memref<512x512xf32, #tpu.memory_space<vmem>>, %arg2: memref<1x512xf32, #tpu.memory_space<vmem>>, %arg3: memref<246x512xf32, #tpu.memory_space<vmem>>) attributes {dimension_semantics = [], scalar_prefetch = 0 : i64, scratch_operands = 0 : i64, tpu.core_type = #tpu.core_type<tc>} {
    %get3A = arith.constant 0 : index
    %get3A_0 = arith.constant 0 : index
    %get3A_1 = vector.load %arg0[%get3A, %get3A_0] : memref<246x512xf32, #tpu.memory_space<vmem>>, vector<246x512xf32>
    %get3A_2 = arith.constant 0 : index
    %get3A_3 = arith.constant 0 : index
    %get3A_4 = vector.load %arg1[%get3A_2, %get3A_3] : memref<512x512xf32, #tpu.memory_space<vmem>>, vector<512x512xf32>
    %dot_general3A = arith.constant dense<0.000000e+00> : vector<246x512xf32>
    %dot_general3A_5 = tpu.matmul %get3A_1, %get3A_4, %dot_general3A {dimension_numbers = #tpu.dot_dimension_numbers<[1], [1], [0], [0], [0, 0, 1, 0], [], []>, transpose_lhs_hint = false} : vector<246x512xf32>, vector<512x512xf32>, vector<246x512xf32> -> vector<246x512xf32>
    %get3A_6 = arith.constant 0 : index
    %get3A_7 = arith.constant 0 : index
    %get3A_8 = vector.load %arg2[%get3A_6, %get3A_7] : memref<1x512xf32, #tpu.memory_space<vmem>>, vector<1x512xf32>
    %add3A = vector.broadcast %get3A_8 : vector<1x512xf32> to vector<246x512xf32>
    %add3A_9 = arith.addf %dot_general3A_5, %add3A : vector<246x512xf32>
    %swap3A = arith.constant 0 : index
    %swap3A_10 = arith.constant 0 : index
    %swap3A_11 = vector.load %arg3[%swap3A, %swap3A_10] : memref<246x512xf32, #tpu.memory_space<vmem>>, vector<246x512xf32>
    tpu.vector_store %arg3[%swap3A, %swap3A_10], %add3A_9 {strides = array<i32>} : memref<246x512xf32, #tpu.memory_space<vmem>>, vector<246x512xf32>,
    return
  }
}

</mosaic_0001>

<sc_bundles>
// kernel: kernel.4.cloned.1.call-start
scs
__scs_entry_jumppad:
0x0: {  	(pc) =	sbr.rel $0x88, $3  }
0x1: {  	(tag) =	ssettag $0x0;
	lr =	simm.s32 $0x1  }
0x2: {  	[smem:$0x3F9D] =	sst lr;
	_ =	strace $0xD0000000  }
0x3: {  	_ = 	snop  }
0x4: {  	_ = 	snop  }
0x5: {  	_ = 	snop  }
0x6: {  	_ = 	snop  }
0x7: {  	_ = 	snop  }
__scs_overlays_trampoline_lowered:
0x8: {  	[smem:$0x3FAC] =	sst s0  }
0x9: {  	[smem:$0x3FAD] =	sst s1  }
0xa: {  	[smem:$0x3FAE] =	sst s2  }
0xb: {  	[smem:$0x3FAF] =	sst s3  }
0xc: {  	[smem:$0x3FB0] =	sst s4  }
0xd: {  	[smem:$0x3FB1] =	sst s5  }
0xe: {  	[smem:$0x3FB2] =	sst s6  }
0xf: {  	[smem:$0x3FB3] =	sst s7  }
0x10: {  	[smem:$0x3FB4] =	sst s8  }
0x11: {  	[smem:$0x3FB5] =	sst s9;
	s0 =	simm.s32 @!p0 $0x0  }
0x12: {  	s1 =	sld [smem:$0x3F9B];
	s0 =	simm.s32 @p0 $0x1  }
0x13: {  	[smem:$0x3FB6] =	sst s0;
	s0 =	simm.s32 @!p1 $0x0  }
0x14: {  	s2 =	sld [smem:$0x3F9A];
	s0 =	simm.s32 @p1 $0x1  }
0x15: {  	[smem:$0x3FB7] =	sst s0;
	s0 =	simm.s32 @!p2 $0x0  }
0x16: {  	s3 =	sld [smem:$0x3FDB];
	s0 =	simm.s32 @p2 $0x1  }
0x17: {  	s4 =	simm.s32 $0x1BF5;
	[smem:$0x3FB9] =	sst s0  }
0x18: {  	s0 =	sld [smem:$0x3F9C];
	_ =	swait.ge [sflag:s4], $0x0  }
0x19: {  	s7 =	sld [smem:$0x3F9D]  }
0x1a: {  	s8 =	sadd.s32 $0xFFFFE003, lr  }
0x1b: {  	s9 =	sadd.s32 $0xFFFFFEF7, lr;
	s5 =	simm.s32 $0xFFFFFFFF;
	p2 =	slt.u32 s8, $0xFFFFF086  }
0x1c: {  	p1 =	slt.u32 s9, $0xF7A;
	s5 =	simm.s32 @!p2 $0x0  }
0x1d: {  	s5 =	simm.s32 @p1 $0x1;
	p0 =	seq.s32 s7, s2  }
0x1e: {  	s7 =	smul.u32 @!p0 $0xF7A, s2;
	p2 =	seq.s32 @!p0 s5, $0x0  }
0x1f: {  	s9 =	smul.u32 $0xF7A, s1;
	s8 =	simm.s32 @!p0 $0x1BF5;
	p2 =	por !p2, p0  }
0x20: {  	[sflag:s8] =	ssyncset.s32 @!p0 $0xFFFFF086;
	s6 =	sadd.s32 @!p0 s3, s7;
	s7 =	simm.s32 @!p0 $0x108  }
0x21: {  	s3 =	sadd.s32 s3, s9;
	s6 =	sadd.s32 @!p0 $0x88, s6;
	s7 =	simm.s32 @p2 $0x1082  }
0x22: {  	[simem:s7], [sflag:s8] =	dma.local @!p0 [hbm:s6], $0xF7A  }
0x23: {  	s9 =	sor.u32 $0xD0000000, s2;
	s6 =	simm.s32 $0x108;
	_ =	swait.ge @!p0 [sflag:s8], $0x0  }
0x24: {  	s3 =	sadd.s32 $0x88, s3;
	s6 =	simm.s32 @!p1 $0x1082;
	[sflag:s4] =	ssyncset.s32 $0xFFFFF086  }
0x25: {  	[simem:s6], [sflag:s4] =	dma.local [hbm:s3], $0xF7A  }
0x26: {  	[smem:$0x3F9D] =	sst s1;
	(tag) =	ssettag s2;
	_ =	strace s9  }
0x27: {  	s1 =	sld [smem:$0x3FAD]  }
0x28: {  	s2 =	sld [smem:$0x3FAE]  }
0x29: {  	s4 =	sld [smem:$0x3FB0]  }
0x2a: {  	p0 =	seq.s32 s5, $0x0;
	s5 =	sld [smem:$0x3FB1]  }
0x2b: {  	s6 =	sld [smem:$0x3FB2]  }
0x2c: {  	s7 =	sld [smem:$0x3FB3]  }
0x2d: {  	s3 =	simm.s32 $0x108;
	s8 =	sld [smem:$0x3FB4]  }
0x2e: {  	s3 =	simm.s32 @!p0 $0x1082;
	s9 =	sld [smem:$0x3FB5]  }
0x2f: {  	lr =	sadd.s32 s0, s3;
	s0 =	sld [smem:$0x3FAC]  }
0x30: {  	s3 =	sld [smem:$0x3FAF]  }
0x31: {  	[smem:$0x3FB8] =	sst s10  }
0x32: {  	s10 =	sld [smem:$0x3FB6];
	_ =	sdelay $0x3  }
0x33: {  	p0 =	seq.s32 s10, $0x1;
	s10 =	sld [smem:$0x3FB8];
	_ =	sdelay $0x3  }
0x34: {  	[smem:$0x3FB8] =	sst s10  }
0x35: {  	s10 =	sld [smem:$0x3FB7];
	_ =	sdelay $0x3  }
0x36: {  	p1 =	seq.s32 s10, $0x1;
	s10 =	sld [smem:$0x3FB8];
	_ =	sdelay $0x3  }
0x37: {  	[smem:$0x3FB8] =	sst s10  }
0x38: {  	s10 =	sld [smem:$0x3FB9]  }
0x39: {  	_ = 	snop;
	(pc) =	sbr.ind lr, $3  }
0x3a: {  	_ = 	snop  }
0x3b: {  	_ = 	snop  }
0x3c: {  	p2 =	seq.s32 s10, $0x1;
	s10 =	sld [smem:$0x3FB8]  }
0x3d: {  	_ =	shalt  }
0x3e: {  	_ =	shalt  }
0x3f: {  	_ =	shalt  }
0x40: {  	_ =	shalt  }
0x41: {  	_ =	shalt  }
0x42: {  	_ =	shalt  }
0x43: {  	_ =	shalt  }
0x44: {  	_ =	shalt  }
0x45: {  	_ =	shalt  }
0x46: {  	_ =	shalt  }
0x47: {  	_ =	shalt  }
0x48: {  	_ =	shalt  }
0x49: {  	_ =	shalt  }
0x4a: {  	_ =	shalt  }
0x4b: {  	_ =	shalt  }
0x4c: {  	_ =	shalt  }
0x4d: {  	_ =	shalt  }
0x4e: {  	_ =	shalt  }
0x4f: {  	_ =	shalt  }
0x50: {  	_ =	shalt  }
0x51: {  	_ =	shalt  }
0x52: {  	_ =	shalt  }
0x53: {  	_ =	shalt  }
0x54: {  	_ =	shalt  }
0x55: {  	_ =	shalt  }
0x56: {  	_ =	shalt  }
0x57: {  	_ =	shalt  }
0x58: {  	_ =	shalt  }
0x59: {  	_ =	shalt  }
0x5a: {  	_ =	shalt  }
0x5b: {  	_ =	shalt  }
0x5c: {  	_ =	shalt  }
0x5d: {  	_ =	shalt  }
0x5e: {  	_ =	shalt  }
0x5f: {  	_ =	shalt  }
0x60: {  	_ =	shalt  }
0x61: {  	_ =	shalt  }
0x62: {  	_ =	shalt  }
0x63: {  	_ =	shalt  }
0x64: {  	_ =	shalt  }
0x65: {  	_ =	shalt  }
0x66: {  	_ =	shalt  }
0x67: {  	_ =	shalt  }
0x68: {  	_ =	shalt  }
0x69: {  	_ =	shalt  }
0x6a: {  	_ =	shalt  }
0x6b: {  	_ =	shalt  }
0x6c: {  	_ =	shalt  }
0x6d: {  	_ =	shalt  }
0x6e: {  	_ =	shalt  }
0x6f: {  	_ =	shalt  }
0x70: {  	_ =	shalt  }
0x71: {  	_ =	shalt  }
0x72: {  	_ =	shalt  }
0x73: {  	_ =	shalt  }
0x74: {  	_ =	shalt  }
0x75: {  	_ =	shalt  }
0x76: {  	_ =	shalt  }
0x77: {  	_ =	shalt  }
0x78: {  	_ =	shalt  }
0x79: {  	_ =	shalt  }
0x7a: {  	_ =	shalt  }
0x7b: {  	_ =	shalt  }
0x7c: {  	_ =	shalt  }
0x7d: {  	_ =	shalt  }
0x7e: {  	_ =	shalt  }
0x7f: {  	_ =	shalt  }
0x80: {  	_ =	shalt  }
0x81: {  	_ =	shalt  }
0x82: {  	_ =	shalt  }
0x83: {  	_ =	shalt  }
0x84: {  	_ =	shalt  }
0x85: {  	_ =	shalt  }
0x86: {  	_ =	shalt  }
0x87: {  	_ =	shalt  }
.Lfunc_end0:
.L_simem_size_0:
called_computation_lowered:
.L_overlay_start_0:
0x88: {  	s2 =	sld [smem:$0x3FD9]  }
0x89: {  	s3 =	sld [smem:$0x3FFE];
	_ =	sdelay $0x1  }
0x8a: {  	s1 =	srdreg.scid  }
0x8b: {  	s0 =	sand.u32 $0x1, s1  }
0x8c: {  	s17 =	sshll.u32 s0, $0xA;
	s2 =	sadd.s32 s3, s2  }
0x8d: {  	s2 =	sadd.s32 s2, s17  }
0x8e: {  	[smem:$0x3FC4] =	sst s2  }
0x8f: {  	_ = 	snop  }
0x90: {  	s2 =	sld [smem:$0x3FC9]  }
0x91: {  	s18 =	sld [smem:$0x3FD0];
	(tm) =	ssettm $0x1  }
0x92: {  	s4 =	sld [smem:$0x3FFB];
	_ =	sdelay $0x3  }
0x93: {  	_ =	strace s4  }
0x94: {  	s4 =	sld [smem:$0x3FFC];
	_ =	sdelay $0x3  }
0x95: {  	_ =	strace s4  }
0x96: {  	s4 =	sld [smem:$0x3FFD];
	_ =	sdelay $0x3  }
0x97: {  	_ =	strace s4  }
0x98: {  	_ =	strace $0x8FFFFFFF  }
0x99: {  	s19 =	sld [smem:$0x3FDB];
	_ =	sdelay $0x1  }
0x9a: {  	s5 =	simm.s32 $_scs_section_size  }
0x9b: {  	s6 =	simm.s32 $_size__tile_overlayer_lowered;
	s7 =	simm.s32 $_tile_overlayer_lowered  }
0x9c: {  	s22 =	simm.s32 $0x1BFF;
	s21 =	sshll.u32 s7, $0x1;
	s4 =	sadd.s32 s5, s19  }
0x9d: {  	s8 =	simm.s32 $0x0;
	s20 =	sshll.u32 s6, $0x1;
	s6 =	sadd.s32 s21, s4  }
0x9e: {  	[timem:s8], [sflag:s22] =	dma.local [hbm:s6], s20  }
0x9f: {  	_ =	swait.ge [sflag:s22], s20  }
0xa0: {  	s5 =	ssub.s32 $0x0, s20;
	[sflag:s22] =	ssyncset.done $0x0  }
0xa1: {  	[sflag:s22] =	ssyncadd.s32 s5;
	_ =	sdelay $0x1  }
0xa2: {  	s23 =	simm.s32 $0x1B8B  }
0xa3: {  	_ =	swait.ge [sflag:s23], $0x1  }
0xa4: {  	[sflag:s23] =	ssyncset.done $0x0  }
0xa5: {  	s25 =	simm.s32 $0x1B8E;
	s24 =	sld [smem:$0x3FFE];
	[sflag:s23] =	ssyncadd.s32 $0xFFFFFFFF  }
0xa6: {  	s26 =	simm.s32 $execute0_lowered;
	[smem:$0x3FD2] =	sst s25  }
0xa7: {  	s6 =	sshll.u32 s26, $0x1;
	_ =	strace $0x80000046;
	[dreg:$0x1] =	wrdreg $0xFFFFFFFF  }
0xa8: {  	s28 =	simm.s32 $_size_execute0_lowered;
	s4 =	sadd.s32 s4, s6;
	[dreg:$0x0] =	wrdreg $0x0  }
0xa9: {  	s6 =	sshll.u32 s28, $0x1;
	[dreg:$0x2] =	wrdreg s4  }
0xaa: {  	[dreg:$0x3] =	wrdreg s6  }
0xab: {  	[dreg:$0x4] =	wrdreg $0xC0  }
0xac: {  	_ =	task [dreg:s8], $0x5FFFF  }
0xad: {  	[dreg:$0x1] =	wrdreg $0xFFFFFFFF  }
0xae: {  	[dreg:$0x0] =	wrdreg $0x60  }
0xaf: {  	[dreg:$0x2] =	wrdreg s24  }
0xb0: {  	[dreg:$0x3] =	wrdreg s2  }
0xb1: {  	[dreg:$0x4] =	wrdreg s18  }
0xb2: {  	[dreg:$0x5] =	wrdreg $0x9  }
0xb3: {  	_ =	task.clear_ibuf [dreg:s8], $0x6FFFF;
	_ =	strace $0x90000046  }
0xb4: {  	s29 =	simm.s32 $0x9;
	_ =	strace $0x80000048  }
0xb5: {  	_ =	swait.ge [sflag:s29], $0x1  }
0xb6: {  	[sflag:s29] =	ssyncadd.s32 $0xFFFFFFFF  }
0xb7: {  	_ =	strace $0x90000048  }
0xb8: {  	_ =	sfence  }
0xb9: {  	s30 =	sld [smem:$0x0];
	_ =	sdelay $0x2  }
0xba: {  	s31 =	sshll.u32 s1, $0xD;
	s1 =	sshrl.u32 s1, $0x2  }
0xbb: {  	s3 =	sand.u32 $0x4000, s31;
	s1 =	sadd.s32 s1, s30  }
0xbc: {  	s0 =	sor.u32 s3, s0;
	s1 =	sshll.u32 s1, $0x11  }
0xbd: {  	s0 =	sor.u32 s1, s0  }
0xbe: {  	s0 =	sadd.s32 $0x8F2B, s0  }
0xbf: {  	[sflag:s0] =	ssyncadd.remote.s32 $0x1  }
0xc0: {  	_ =	sfence.sel $0xFFFF  }
0xc1: {  	[dreg:$0x0] =	wrdreg $0xFFFFFFFF;
	(pc) =	sbr.abs _section_cstart, $3  }
0xc2: {  	[dreg:$0x1] =	wrdreg $0xFFFFFFFF  }
0xc3: {  	_ =	task.clear_ibuf [dreg:s8], $0x2FFFF;
	_ =	strace $0x9FFFFFFF  }
0xc4: {  	(tm) =	ssettm $0x7FFFFFFF  }
0xc5: {  	_ =	shalt  }
tec
execute0_lowered:
.L_overlay_start_1:
0x0: {  	(tag) =	ssettag $0x1  }
0x1: {  	s0 =	rddreg [dreg:$0x0]  }
0x2: {  	s2 =	rddreg [dreg:$0x1]  }
0x3: {  	s3 =	rddreg [dreg:$0x2];
	s1 =	simm.s32 $0x0;
	s4 =	srdreg.scid  }
0x4: {  	s8 =	stileid.u32;
	[smem:$0x7FF] =	sst s1  }
0x5: {  	s4 =	sand.u32 $0x1, s4;
	s0 =	sadd.s32 $0xC00, s0;
	s6 =	sshll.u32 s8, $0xA  }
0x6: {  	s30 =	sshll.u32 s8, $0x10;
	_ =	strace $0x80000047;
	[dreg:$0x8] =	wrdreg s0  }
0x7: {  	s28 =	ssub.s32 $0x2, s4;
	s7 =	sshll.u32 s4, $0x9;
	s3 =	sadd.s32 s30, s3  }
0x8: {  	s4 =	sshll.u32 s4, $0xF;
	s5 =	sshrl.u32 s28, $0x1;
	s29 =	sor.u32 s7, s6  }
0x9: {  	s31 =	sadd.s32 s4, s3;
	s0 =	ssub.s32 s28, s5;
	s5 =	sshrl.u32 s29, $0x3  }
0xa: {  	[dreg:$0x4] =	wrdreg s31;
	s2 =	sadd.s32 s2, s5  }
0xb: {  	s0 =	smax.u32 s0, $0x1;
	[dreg:$0x9] =	wrdreg s2  }
0xc: {  	s3 =	simm.s32 $0x0;
	[dreg:$0xa] =	wrdreg s0  }
.LBB2_1:
0xd: {  	[dreg:$0xb] =	wrdreg s3  }
0xe: {  	s0 =	rddreg [dreg:$0x8];
	s2 =	simm.s32 $0x200  }
0xf: {  	[tilespmem:s2], [sflag:$0x1] =	stream.linear.gather [hbm4b:s0+s1], $0x1F000, $0x38;
	[tilespmem:$0x1F200] =	vst v63  }
0x10: {  	s14 =	rddreg [dreg:$0x9];
	s15 =	simm.s32 $0x3  }
0x11: {  	[tilespmem:s1], [sflag:$0x3] =	stream.linear.gather [hbm4b:s14+s1], $0x200, $0x38;
	[tilespmem:$0x1F200] =	vst v63  }
0x12: {  	_ =	swait.ge [sflag:s15], $0x200  }
0x13: {  	[sflag:s15] =	ssyncset.done $0x0  }
0x14: {  	s16 =	simm.s32 $0x1;
	[sflag:s15] =	ssyncadd.s32 $0xFFFFFE00  }
0x15: {  	_ =	swait.ge [sflag:s16], $0x1F000  }
0x16: {  	[sflag:s16] =	ssyncset.done $0x0  }
0x17: {  	[sflag:s16] =	ssyncadd.s32 $0xFFFE1000  }
0x18: {  	v0 =	vld [tilespmem:s1+$0x0];
	_ =	sdelay $0x4  }
0x19: {  	(v2sf) =	vpush v0, $0x2  }
0x1a: {  	(v2sf) =	vpush v0, $0x0;
	_ =	sdelay $0x3  }
0x1b: {  	(v2sf) =	vpush v0, $0x1;
	_ =	sdelay $0x5  }
0x1c: {  	s19 =	rddreg [dreg:$0x4]  }
0x1d: {  	s11 =	sadd.s32 $0x0, s19  }
0x1e: {  	s3 =	sadd.s32 $0x80, s11;
	s12 =	sadd.s32 $0x100, s11  }
0x1f: {  	s22 =	sadd.s32 $0xA0, s11;
	s13 =	sadd.s32 $0x180, s11;
	s24 =	sadd.s32 $0x10, s11  }
0x20: {  	s29 =	sadd.s32 $0x90, s11;
	s31 =	sadd.s32 $0x110, s11;
	s17 =	spop (v2sf)  }
0x21: {  	s5 =	sadd.s32 $0x190, s11;
	s7 =	sadd.s32 $0x20, s11;
	s18 =	spop (v2sf)  }
0x22: {  	s10 =	sadd.s32 $0x130, s11;
	s4 =	sshll.u32 s18, $0x9;
	s0 =	sshll.u32 s18, $0x7  }
0x23: {  	s19 =	sadd.s32 $0x1A0, s11;
	(v2sf) =	vpush v0, $0x3;
	s4 =	sand.u32 $0xFFFFF000, s4;
	s0 =	sand.u32 $0x380, s0  }
0x24: {  	s25 =	sshll.u32 s17, $0x9;
	s2 =	sshll.u32 s17, $0x7;
	s4 =	sor.u32 s0, s4  }
0x25: {  	(v2sf) =	vpush v0, $0x4;
	s17 =	sadd.s32 $0x120, s11;
	s20 =	spop (v2sf);
	s0 =	sadd.s32 $0x200, s4  }
0x26: {  	[hbm4b:s11+s1] =	stream.linear.scatter [tilespmem:s0], [sflag:$0x2], $0x80, $0x38;
	[tilespmem:$0x1F200] =	vst v63  }
0x27: {  	s2 =	sand.u32 $0x380, s2;
	s18 =	sadd.s32 $0x30, s11;
	s6 =	sadd.s32 $0x600, s4  }
0x28: {  	[hbm4b:s3+s1] =	stream.linear.scatter [tilespmem:s6], [sflag:$0x2], $0x80, $0x38;
	[tilespmem:$0x1F200] =	vst v63  }
0x29: {  	s23 =	sshll.u32 s20, $0x9;
	s21 =	sadd.s32 $0xA00, s4;
	s3 =	sshll.u32 s20, $0x7  }
0x2a: {  	(v2sf) =	vpush v0, $0x5;
	[hbm4b:s12+s1] =	stream.linear.scatter [tilespmem:s21], [sflag:$0x2], $0x80, $0x38;
	[tilespmem:$0x1F200] =	vst v63  }
0x2b: {  	s4 =	sadd.s32 $0xE00, s4;
	s3 =	sand.u32 $0x380, s3;
	s12 =	sand.u32 $0xFFFFF000, s23  }
0x2c: {  	s0 =	sadd.s32 $0x1C0, s11;
	s20 =	sadd.s32 $0xB0, s11;
	s3 =	sor.u32 s3, s12  }
0x2d: {  	[hbm4b:s13+s1] =	stream.linear.scatter [tilespmem:s4], [sflag:$0x2], $0x80, $0x38;
	[tilespmem:$0x1F200] =	vst v63  }
0x2e: {  	s26 =	sadd.s32 $0x200, s3;
	s4 =	sand.u32 $0xFFFFF000, s25;
	s28 =	sadd.s32 $0x600, s3  }
0x2f: {  	s30 =	sadd.s32 $0xA00, s3;
	s3 =	sadd.s32 $0xE00, s3;
	s2 =	sor.u32 s2, s4  }
0x30: {  	[hbm4b:s24+s1] =	stream.linear.scatter [tilespmem:s26], [sflag:$0x2], $0x80, $0x38;
	[tilespmem:$0x1F200] =	vst v63  }
0x31: {  	s13 =	sadd.s32 $0xD0, s11;
	s9 =	sadd.s32 $0x200, s2;
	s15 =	sadd.s32 $0x600, s2  }
0x32: {  	s16 =	sadd.s32 $0xA00, s2;
	s2 =	sadd.s32 $0xE00, s2;
	s8 =	spop (v2sf)  }
0x33: {  	[hbm4b:s29+s1] =	stream.linear.scatter [tilespmem:s28], [sflag:$0x2], $0x80, $0x38;
	[tilespmem:$0x1F200] =	vst v63  }
0x34: {  	s14 =	sshll.u32 s8, $0x9;
	s4 =	sshll.u32 s8, $0x7;
	s21 =	spop (v2sf)  }
0x35: {  	s29 =	sadd.s32 $0x1B0, s11;
	s12 =	sand.u32 $0xFFFFF000, s14;
	s4 =	sand.u32 $0x380, s4  }
0x36: {  	[hbm4b:s31+s1] =	stream.linear.scatter [tilespmem:s30], [sflag:$0x2], $0x80, $0x38;
	[tilespmem:$0x1F200] =	vst v63  }
0x37: {  	s23 =	sshll.u32 s21, $0x9;
	s4 =	sor.u32 s4, s12;
	s12 =	sshll.u32 s21, $0x7  }
0x38: {  	(v2sf) =	vpush v0, $0x6;
	[hbm4b:s5+s1] =	stream.linear.scatter [tilespmem:s3], [sflag:$0x2], $0x80, $0x38;
	[tilespmem:$0x1F200] =	vst v63  }
0x39: {  	s25 =	sand.u32 $0xFFFFF000, s23;
	s30 =	spop (v2sf);
	s31 =	sadd.s32 $0x40, s11  }
0x3a: {  	[hbm4b:s7+s1] =	stream.linear.scatter [tilespmem:s9], [sflag:$0x2], $0x80, $0x38;
	[tilespmem:$0x1F200] =	vst v63  }
0x3b: {  	s24 =	sadd.s32 $0x600, s4;
	s26 =	sand.u32 $0x380, s12;
	s28 =	sadd.s32 $0xA00, s4  }
0x3c: {  	(v2sf) =	vpush v0, $0x7;
	[hbm4b:s22+s1] =	stream.linear.scatter [tilespmem:s15], [sflag:$0x2], $0x80, $0x38;
	[tilespmem:$0x1F200] =	vst v63  }
0x3d: {  	s5 =	sadd.s32 $0xC0, s11;
	s3 =	sshll.u32 s30, $0x7;
	s7 =	sshll.u32 s30, $0x9  }
0x3e: {  	[hbm4b:s17+s1] =	stream.linear.scatter [tilespmem:s16], [sflag:$0x2], $0x80, $0x38;
	[tilespmem:$0x1F200] =	vst v63  }
0x3f: {  	s3 =	sand.u32 $0x380, s3;
	s12 =	sand.u32 $0xFFFFF000, s7;
	s7 =	sadd.s32 $0x1E0, s11  }
0x40: {  	(v2sf) =	vpush v0, $0x8;
	[hbm4b:s19+s1] =	stream.linear.scatter [tilespmem:s2], [sflag:$0x2], $0x80, $0x38;
	[tilespmem:$0x1F200] =	vst v63  }
0x41: {  	s22 =	sadd.s32 $0x200, s4;
	s4 =	sadd.s32 $0xE00, s4;
	s3 =	sor.u32 s3, s12  }
0x42: {  	[hbm4b:s18+s1] =	stream.linear.scatter [tilespmem:s22], [sflag:$0x2], $0x80, $0x38;
	[tilespmem:$0x1F200] =	vst v63  }
0x43: {  	s15 =	sadd.s32 $0x50, s11;
	s12 =	sadd.s32 $0x200, s3;
	s2 =	sor.u32 s26, s25  }
0x44: {  	[hbm4b:s20+s1] =	stream.linear.scatter [tilespmem:s24], [sflag:$0x2], $0x80, $0x38;
	[tilespmem:$0x1F200] =	vst v63  }
0x45: {  	s16 =	sadd.s32 $0x150, s11;
	s19 =	sadd.s32 $0xF0, s11;
	s6 =	sadd.s32 $0x200, s2  }
0x46: {  	[hbm4b:s10+s1] =	stream.linear.scatter [tilespmem:s28], [sflag:$0x2], $0x80, $0x38;
	[tilespmem:$0x1F200] =	vst v63  }
0x47: {  	s8 =	sadd.s32 $0x600, s2;
	s9 =	sadd.s32 $0xA00, s2;
	s14 =	spop (v2sf)  }
0x48: {  	(v2sf) =	vpush v0, $0x9;
	[hbm4b:s29+s1] =	stream.linear.scatter [tilespmem:s4], [sflag:$0x2], $0x80, $0x38;
	[tilespmem:$0x1F200] =	vst v63  }
0x49: {  	s2 =	sadd.s32 $0xE00, s2;
	s18 =	sadd.s32 $0x600, s3;
	s22 =	sadd.s32 $0x1D0, s11  }
0x4a: {  	[hbm4b:s31+s1] =	stream.linear.scatter [tilespmem:s6], [sflag:$0x2], $0x80, $0x38;
	[tilespmem:$0x1F200] =	vst v63  }
0x4b: {  	s17 =	sshll.u32 s14, $0x9;
	s20 =	sadd.s32 $0xA00, s3;
	s21 =	spop (v2sf)  }
0x4c: {  	[hbm4b:s5+s1] =	stream.linear.scatter [tilespmem:s8], [sflag:$0x2], $0x80, $0x38;
	[tilespmem:$0x1F200] =	vst v63  }
0x4d: {  	s3 =	sadd.s32 $0xE00, s3;
	s24 =	sadd.s32 $0x60, s11;
	s10 =	sadd.s32 $0x140, s11  }
0x4e: {  	[hbm4b:s10+s1] =	stream.linear.scatter [tilespmem:s9], [sflag:$0x2], $0x80, $0x38;
	[tilespmem:$0x1F200] =	vst v63  }
0x4f: {  	s23 =	sshll.u32 s21, $0x9;
	s30 =	spop (v2sf);
	s28 =	sadd.s32 $0xE0, s11  }
0x50: {  	[hbm4b:s0+s1] =	stream.linear.scatter [tilespmem:s2], [sflag:$0x2], $0x80, $0x38;
	[tilespmem:$0x1F200] =	vst v63  }
0x51: {  	s4 =	sadd.s32 $0x160, s11;
	s29 =	sadd.s32 $0x170, s11;
	s5 =	sshll.u32 s30, $0x9  }
0x52: {  	(v2sf) =	vpush v0, $0xA;
	[hbm4b:s15+s1] =	stream.linear.scatter [tilespmem:s12], [sflag:$0x2], $0x80, $0x38;
	[tilespmem:$0x1F200] =	vst v63  }
0x53: {  	s8 =	sshll.u32 s30, $0x7;
	s9 =	sadd.s32 $0x70, s11;
	s0 =	sshll.u32 s14, $0x7  }
0x54: {  	[hbm4b:s13+s1] =	stream.linear.scatter [tilespmem:s18], [sflag:$0x2], $0x80, $0x38;
	[tilespmem:$0x1F200] =	vst v63  }
0x55: {  	s2 =	sshll.u32 s21, $0x7;
	s0 =	sand.u32 $0x380, s0;
	s12 =	sand.u32 $0xFFFFF000, s17  }
0x56: {  	[hbm4b:s16+s1] =	stream.linear.scatter [tilespmem:s20], [sflag:$0x2], $0x80, $0x38;
	[tilespmem:$0x1F200] =	vst v63  }
0x57: {  	s2 =	sand.u32 $0x380, s2;
	s15 =	spop (v2sf);
	s0 =	sor.u32 s0, s12  }
0x58: {  	[hbm4b:s22+s1] =	stream.linear.scatter [tilespmem:s3], [sflag:$0x2], $0x80, $0x38;
	[tilespmem:$0x1F200] =	vst v63  }
0x59: {  	s17 =	sshll.u32 s15, $0x9;
	s25 =	sadd.s32 $0x200, s0;
	s26 =	sadd.s32 $0x600, s0  }
0x5a: {  	[hbm4b:s24+s1] =	stream.linear.scatter [tilespmem:s25], [sflag:$0x2], $0x80, $0x38;
	[tilespmem:$0x1F200] =	vst v63  }
0x5b: {  	s31 =	sadd.s32 $0xA00, s0;
	s0 =	sadd.s32 $0xE00, s0;
	s18 =	sadd.s32 $0x1F0, s11  }
0x5c: {  	(v2sf) =	vpush v0, $0xB;
	[hbm4b:s28+s1] =	stream.linear.scatter [tilespmem:s26], [sflag:$0x2], $0x80, $0x38;
	[tilespmem:$0x1F200] =	vst v63  }
0x5d: {  	s13 =	sadd.s32 $0x2C0, s11;
	s20 =	sadd.s32 $0x200, s11;
	s3 =	sand.u32 $0xFFFFF000, s23  }
0x5e: {  	[hbm4b:s4+s1] =	stream.linear.scatter [tilespmem:s31], [sflag:$0x2], $0x80, $0x38;
	[tilespmem:$0x1F200] =	vst v63  }
0x5f: {  	s23 =	sadd.s32 $0x280, s11;
	s2 =	sor.u32 s2, s3;
	s3 =	sand.u32 $0xFFFFF000, s5  }
0x60: {  	[hbm4b:s7+s1] =	stream.linear.scatter [tilespmem:s0], [sflag:$0x2], $0x80, $0x38;
	[tilespmem:$0x1F200] =	vst v63  }
0x61: {  	s5 =	spop (v2sf);
	s10 =	sadd.s32 $0x200, s2;
	s14 =	sadd.s32 $0x600, s2  }
0x62: {  	[hbm4b:s9+s1] =	stream.linear.scatter [tilespmem:s10], [sflag:$0x2], $0x80, $0x38;
	[tilespmem:$0x1F200] =	vst v63  }
0x63: {  	s16 =	sadd.s32 $0xA00, s2;
	s2 =	sadd.s32 $0xE00, s2;
	s25 =	sadd.s32 $0x300, s11  }
0x64: {  	[hbm4b:s19+s1] =	stream.linear.scatter [tilespmem:s14], [sflag:$0x2], $0x80, $0x38;
	[tilespmem:$0x1F200] =	vst v63  }
0x65: {  	s26 =	sadd.s32 $0x380, s11;
	s28 =	sadd.s32 $0x210, s11;
	s0 =	sand.u32 $0x380, s8  }
0x66: {  	[hbm4b:s29+s1] =	stream.linear.scatter [tilespmem:s16], [sflag:$0x2], $0x80, $0x38;
	[tilespmem:$0x1F200] =	vst v63  }
0x67: {  	s31 =	sadd.s32 $0x290, s11;
	s7 =	sadd.s32 $0x310, s11;
	s0 =	sor.u32 s0, s3  }
0x68: {  	[hbm4b:s18+s1] =	stream.linear.scatter [tilespmem:s2], [sflag:$0x2], $0x80, $0x38;
	[tilespmem:$0x1F200] =	vst v63  }
0x69: {  	(v2sf) =	vpush v0, $0xC;
	s8 =	sadd.s32 $0x220, s11;
	s3 =	sand.u32 $0xFFFFF000, s17;
	s21 =	sadd.s32 $0x200, s0  }
0x6a: {  	[hbm4b:s20+s1] =	stream.linear.scatter [tilespmem:s21], [sflag:$0x2], $0x80, $0x38;
	[tilespmem:$0x1F200] =	vst v63  }
0x6b: {  	s12 =	spop (v2sf);
	s22 =	sadd.s32 $0x600, s0;
	s19 =	sshll.u32 s15, $0x7  }
0x6c: {  	[hbm4b:s23+s1] =	stream.linear.scatter [tilespmem:s22], [sflag:$0x2], $0x80, $0x38;
	[tilespmem:$0x1F200] =	vst v63  }
0x6d: {  	s24 =	sadd.s32 $0xA00, s0;
	s0 =	sadd.s32 $0xE00, s0;
	s2 =	sand.u32 $0x380, s19  }
0x6e: {  	[hbm4b:s25+s1] =	stream.linear.scatter [tilespmem:s24], [sflag:$0x2], $0x80, $0x38;
	[tilespmem:$0x1F200] =	vst v63  }
0x6f: {  	s9 =	sshll.u32 s5, $0x9;
	s10 =	sadd.s32 $0x390, s11;
	s2 =	sor.u32 s2, s3  }
0x70: {  	[hbm4b:s26+s1] =	stream.linear.scatter [tilespmem:s0], [sflag:$0x2], $0x80, $0x38;
	[tilespmem:$0x1F200] =	vst v63  }
0x71: {  	s14 =	sshll.u32 s12, $0x9;
	s16 =	simm.s32 $0x400;
	s29 =	sadd.s32 $0x200, s2  }
0x72: {  	[hbm4b:s28+s1] =	stream.linear.scatter [tilespmem:s29], [sflag:$0x2], $0x80, $0x38;
	[tilespmem:$0x1F200] =	vst v63  }
0x73: {  	s18 =	sadd.s32 $0x2A0, s11;
	s3 =	sshll.u32 s5, $0x7;
	s30 =	sadd.s32 $0x600, s2  }
0x74: {  	[hbm4b:s31+s1] =	stream.linear.scatter [tilespmem:s30], [sflag:$0x2], $0x80, $0x38;
	[tilespmem:$0x1F200] =	vst v63  }
0x75: {  	s5 =	sadd.s32 $0x3B0, s11;
	s6 =	sadd.s32 $0xA00, s2;
	s3 =	sand.u32 $0x380, s3  }
0x76: {  	[hbm4b:s7+s1] =	stream.linear.scatter [tilespmem:s6], [sflag:$0x2], $0x80, $0x38;
	[tilespmem:$0x1F200] =	vst v63  }
0x77: {  	(v2sf) =	vpush v0, $0xD;
	s2 =	sadd.s32 $0xE00, s2;
	s21 =	sadd.s32 $0x320, s11;
	s6 =	sand.u32 $0xFFFFF000, s9  }
0x78: {  	s22 =	sadd.s32 $0x3A0, s11;
	s24 =	spop (v2sf);
	s3 =	sor.u32 s3, s6  }
0x79: {  	[hbm4b:s10+s1] =	stream.linear.scatter [tilespmem:s2], [sflag:$0x2], $0x80, $0x38;
	[tilespmem:$0x1F200] =	vst v63  }
0x7a: {  	s23 =	sadd.s32 $0x230, s11;
	s4 =	sshll.u32 s24, $0x7;
	s15 =	sadd.s32 $0x200, s3  }
0x7b: {  	[hbm4b:s8+s1] =	stream.linear.scatter [tilespmem:s15], [sflag:$0x2], $0x80, $0x38;
	[tilespmem:$0x1F200] =	vst v63  }
0x7c: {  	s0 =	sadd.s32 $0x240, s11;
	s6 =	sshll.u32 s12, $0x7;
	s17 =	sadd.s32 $0x600, s3  }
0x7d: {  	[hbm4b:s18+s1] =	stream.linear.scatter [tilespmem:s17], [sflag:$0x2], $0x80, $0x38;
	[tilespmem:$0x1F200] =	vst v63  }
0x7e: {  	s2 =	sand.u32 $0xFFFFF000, s14;
	s19 =	sand.u32 $0x380, s6;
	s20 =	sadd.s32 $0xA00, s3  }
0x7f: {  	[hbm4b:s21+s1] =	stream.linear.scatter [tilespmem:s20], [sflag:$0x2], $0x80, $0x38;
	[tilespmem:$0x1F200] =	vst v63  }
0x80: {  	s26 =	sshll.u32 s24, $0x9;
	s3 =	sadd.s32 $0xE00, s3;
	s2 =	sor.u32 s19, s2  }
0x81: {  	(v2sf) =	vpush v0, $0xE;
	[hbm4b:s22+s1] =	stream.linear.scatter [tilespmem:s3], [sflag:$0x2], $0x80, $0x38;
	[tilespmem:$0x1F200] =	vst v63  }
0x82: {  	s4 =	sand.u32 $0x380, s4;
	s24 =	sadd.s32 $0x2D0, s11;
	s25 =	sadd.s32 $0x200, s2  }
0x83: {  	[hbm4b:s23+s1] =	stream.linear.scatter [tilespmem:s25], [sflag:$0x2], $0x80, $0x38;
	[tilespmem:$0x1F200] =	vst v63  }
0x84: {  	s29 =	sadd.s32 $0x2B0, s11;
	s31 =	sadd.s32 $0x330, s11;
	s28 =	sadd.s32 $0x600, s2  }
0x85: {  	[hbm4b:s29+s1] =	stream.linear.scatter [tilespmem:s28], [sflag:$0x2], $0x80, $0x38;
	[tilespmem:$0x1F200] =	vst v63  }
0x86: {  	s7 =	spop (v2sf);
	s30 =	sadd.s32 $0xA00, s2;
	s3 =	sand.u32 $0xFFFFF000, s26  }
0x87: {  	[hbm4b:s31+s1] =	stream.linear.scatter [tilespmem:s30], [sflag:$0x2], $0x80, $0x38;
	[tilespmem:$0x1F200] =	vst v63  }
0x88: {  	s2 =	sadd.s32 $0xE00, s2;
	s8 =	sshll.u32 s7, $0x9;
	s3 =	sor.u32 s4, s3  }
0x89: {  	(v2sf) =	vpush v0, $0xF;
	[hbm4b:s5+s1] =	stream.linear.scatter [tilespmem:s2], [sflag:$0x2], $0x80, $0x38;
	[tilespmem:$0x1F200] =	vst v63  }
0x8a: {  	s10 =	sand.u32 $0xFFFFF000, s8;
	s17 =	sadd.s32 $0x340, s11;
	s9 =	sadd.s32 $0x200, s3  }
0x8b: {  	[hbm4b:s0+s1] =	stream.linear.scatter [tilespmem:s9], [sflag:$0x2], $0x80, $0x38;
	[tilespmem:$0x1F200] =	vst v63  }
0x8c: {  	s18 =	sadd.s32 $0x3C0, s11;
	s4 =	sshll.u32 s7, $0x7;
	s12 =	sadd.s32 $0x600, s3  }
0x8d: {  	[hbm4b:s13+s1] =	stream.linear.scatter [tilespmem:s12], [sflag:$0x2], $0x80, $0x38;
	[tilespmem:$0x1F200] =	vst v63  }
0x8e: {  	s20 =	sadd.s32 $0x250, s11;
	s14 =	sand.u32 $0x380, s4;
	s15 =	sadd.s32 $0xA00, s3  }
0x8f: {  	[hbm4b:s17+s1] =	stream.linear.scatter [tilespmem:s15], [sflag:$0x2], $0x80, $0x38;
	[tilespmem:$0x1F200] =	vst v63  }
0x90: {  	s22 =	spop (v2sf);
	s19 =	sadd.s32 $0xE00, s3;
	s0 =	sor.u32 s14, s10  }
0x91: {  	[hbm4b:s18+s1] =	stream.linear.scatter [tilespmem:s19], [sflag:$0x2], $0x80, $0x38;
	[tilespmem:$0x1F200] =	vst v63  }
0x92: {  	s25 =	sshll.u32 s22, $0x9;
	s4 =	sadd.s32 $0x260, s11;
	s21 =	sadd.s32 $0x200, s0  }
0x93: {  	[hbm4b:s20+s1] =	stream.linear.scatter [tilespmem:s21], [sflag:$0x2], $0x80, $0x38;
	[tilespmem:$0x1F200] =	vst v63  }
0x94: {  	s3 =	sand.u32 $0xFFFFF000, s25;
	s28 =	sadd.s32 $0x350, s11;
	s23 =	sadd.s32 $0x600, s0  }
0x95: {  	[hbm4b:s24+s1] =	stream.linear.scatter [tilespmem:s23], [sflag:$0x2], $0x80, $0x38;
	[tilespmem:$0x1F200] =	vst v63  }
0x96: {  	s29 =	sadd.s32 $0x3D0, s11;
	s2 =	sshll.u32 s22, $0x7;
	s26 =	sadd.s32 $0xA00, s0  }
0x97: {  	[hbm4b:s28+s1] =	stream.linear.scatter [tilespmem:s26], [sflag:$0x2], $0x80, $0x38;
	[tilespmem:$0x1F200] =	vst v63  }
0x98: {  	s30 =	spop (v2sf);
	s2 =	sand.u32 $0x380, s2;
	s0 =	sadd.s32 $0xE00, s0  }
0x99: {  	[hbm4b:s29+s1] =	stream.linear.scatter [tilespmem:s0], [sflag:$0x2], $0x80, $0x38;
	[tilespmem:$0x1F200] =	vst v63  }
0x9a: {  	s31 =	sshll.u32 s30, $0x9;
	s13 =	simm.s32 $0x10;
	s0 =	sor.u32 s2, s3  }
0x9b: {  	s3 =	sshll.u32 s30, $0x7;
	s2 =	sand.u32 $0xFFFFF000, s31;
	s6 =	sadd.s32 $0x200, s0  }
.LBB2_2:
0x9c: {  	[hbm4b:s4+s1] =	stream.linear.scatter [tilespmem:s6], [sflag:$0x2], $0x80, $0x38;
	[tilespmem:$0x1F200] =	vst v63  }
0x9d: {  	s23 =	sadd.s32 $0x600, s0;
	s14 =	sadd.s32 $0x2E0, s11  }
0x9e: {  	[hbm4b:s14+s1] =	stream.linear.scatter [tilespmem:s23], [sflag:$0x2], $0x80, $0x38;
	[tilespmem:$0x1F200] =	vst v63  }
0x9f: {  	s24 =	sadd.s32 $0xA00, s0;
	s25 =	sadd.s32 $0x360, s11;
	s3 =	sand.u32 $0x380, s3  }
0xa0: {  	[hbm4b:s25+s1] =	stream.linear.scatter [tilespmem:s24], [sflag:$0x2], $0x80, $0x38;
	[tilespmem:$0x1F200] =	vst v63  }
0xa1: {  	s26 =	sadd.s32 $0xE00, s0;
	s28 =	sadd.s32 $0x3E0, s11;
	s2 =	sor.u32 s3, s2  }
0xa2: {  	[hbm4b:s28+s1] =	stream.linear.scatter [tilespmem:s26], [sflag:$0x2], $0x80, $0x38;
	[tilespmem:$0x1F200] =	vst v63  }
0xa3: {  	s29 =	sadd.s32 $0x270, s11;
	s3 =	sadd.s32 $0x200, s2  }
0xa4: {  	[hbm4b:s29+s1] =	stream.linear.scatter [tilespmem:s3], [sflag:$0x2], $0x80, $0x38;
	[tilespmem:$0x1F200] =	vst v63  }
0xa5: {  	s31 =	sadd.s32 $0x2F0, s11;
	s30 =	sadd.s32 $0x600, s2  }
0xa6: {  	[hbm4b:s31+s1] =	stream.linear.scatter [tilespmem:s30], [sflag:$0x2], $0x80, $0x38;
	[tilespmem:$0x1F200] =	vst v63  }
0xa7: {  	s6 =	sadd.s32 $0x370, s11;
	s5 =	sadd.s32 $0xA00, s2  }
0xa8: {  	[hbm4b:s6+s1] =	stream.linear.scatter [tilespmem:s5], [sflag:$0x2], $0x80, $0x38;
	[tilespmem:$0x1F200] =	vst v63  }
0xa9: {  	s8 =	sadd.s32 $0x3F0, s11;
	s7 =	sadd.s32 $0xE00, s2  }
0xaa: {  	[hbm4b:s8+s1] =	stream.linear.scatter [tilespmem:s7], [sflag:$0x2], $0x80, $0x38;
	[tilespmem:$0x1F200] =	vst v63  }
0xab: {  	v0 =	vld [tilespmem:s13+$0x0];
	_ =	sdelay $0x4  }
0xac: {  	(v2sf) =	vpush v0, $0x2  }
0xad: {  	(v2sf) =	vpush v0, $0x0  }
0xae: {  	(v2sf) =	vpush v0, $0x1;
	_ =	sdelay $0x1  }
0xaf: {  	s22 =	smov.u32 s16;
	s9 =	rddreg [dreg:$0x4]  }
0xb0: {  	p0 =	sne.s32 s16, $0x7C00;
	s11 =	sadd.s32 s22, s9  }
0xb1: {  	s16 =	sadd.s32 $0x400, s16;
	s23 =	sadd.s32 $0x160, s11;
	s14 =	sadd.s32 $0x130, s11  }
0xb2: {  	s22 =	sadd.s32 $0xF0, s11;
	s0 =	sadd.s32 $0x3D0, s11;
	s10 =	sadd.s32 $0x250, s11  }
0xb3: {  	s4 =	sadd.s32 $0x20, s11;
	s2 =	sadd.s32 $0x30, s11;
	s12 =	sadd.s32 $0x3C0, s11  }
0xb4: {  	s17 =	sadd.s32 $0x240, s11;
	s20 =	sadd.s32 $0x3A0, s11;
	[dreg:$0x5] =	wrdreg s0  }
0xb5: {  	s19 =	sadd.s32 $0x230, s11;
	s18 =	sadd.s32 $0x3B0, s11;
	[dreg:$0x6] =	wrdreg s10  }
0xb6: {  	s21 =	sadd.s32 $0x220, s11;
	[dreg:$0x7] =	wrdreg s12;
	s25 =	sadd.s32 $0x80, s11;
	(v2sf) =	vpush v0, $0x3  }
0xb7: {  	s24 =	sadd.s32 $0x170, s11;
	s28 =	sadd.s32 $0xD0, s11;
	s26 =	sadd.s32 $0x150, s11  }
0xb8: {  	s29 =	sadd.s32 $0x1C0, s11;
	s3 =	sadd.s32 $0xB0, s11;
	s31 =	sadd.s32 $0x1B0, s11  }
0xb9: {  	s30 =	sadd.s32 $0xC0, s11;
	s6 =	sadd.s32 $0xA0, s11;
	s5 =	sadd.s32 $0x180, s11  }
0xba: {  	s7 =	sadd.s32 $0x10, s11;
	s13 =	sadd.s32 $0x10, s13;
	s8 =	spop (v2sf)  }
0xbb: {  	s10 =	sshll.u32 s8, $0x9;
	s9 =	spop (v2sf);
	s8 =	sshll.u32 s8, $0x7  }
0xbc: {  	s15 =	sshll.u32 s9, $0x9;
	s9 =	sshll.u32 s9, $0x7;
	s12 =	spop (v2sf)  }
0xbd: {  	(v2sf) =	vpush v0, $0x4;
	s10 =	sand.u32 $0xFFFFF000, s10;
	s0 =	sand.u32 $0xFFFFF000, s15;
	s9 =	sand.u32 $0x380, s9  }
0xbe: {  	s8 =	sand.u32 $0x380, s8;
	s15 =	sshll.u32 s12, $0x9;
	s0 =	sor.u32 s9, s0  }
0xbf: {  	s12 =	sshll.u32 s12, $0x7;
	s9 =	sand.u32 $0xFFFFF000, s15;
	s15 =	sadd.s32 $0x200, s0  }
0xc0: {  	[hbm4b:s11+s1] =	stream.linear.scatter [tilespmem:s15], [sflag:$0x2], $0x80, $0x38;
	[tilespmem:$0x1F200] =	vst v63  }
0xc1: {  	s8 =	sor.u32 s8, s10;
	s12 =	sand.u32 $0x380, s12;
	s15 =	sadd.s32 $0x600, s0  }
0xc2: {  	[hbm4b:s25+s1] =	stream.linear.scatter [tilespmem:s15], [sflag:$0x2], $0x80, $0x38;
	[tilespmem:$0x1F200] =	vst v63  }
0xc3: {  	s9 =	sor.u32 s12, s9;
	s15 =	sadd.s32 $0xA00, s0;
	s25 =	sadd.s32 $0x100, s11  }
0xc4: {  	[hbm4b:s25+s1] =	stream.linear.scatter [tilespmem:s15], [sflag:$0x2], $0x80, $0x38;
	[tilespmem:$0x1F200] =	vst v63  }
0xc5: {  	s0 =	sadd.s32 $0xE00, s0;
	s25 =	spop (v2sf);
	s15 =	sadd.s32 $0x600, s9  }
0xc6: {  	[hbm4b:s5+s1] =	stream.linear.scatter [tilespmem:s0], [sflag:$0x2], $0x80, $0x38;
	[tilespmem:$0x1F200] =	vst v63  }
0xc7: {  	(v2sf) =	vpush v0, $0x5;
	s12 =	sshll.u32 s25, $0x9;
	s10 =	sshll.u32 s25, $0x7;
	s5 =	sadd.s32 $0x200, s9  }
0xc8: {  	[hbm4b:s7+s1] =	stream.linear.scatter [tilespmem:s5], [sflag:$0x2], $0x80, $0x38;
	[tilespmem:$0x1F200] =	vst v63  }
0xc9: {  	s25 =	sadd.s32 $0x90, s11;
	(v2sf) =	vpush v0, $0x6;
	s10 =	sand.u32 $0x380, s10;
	s5 =	sand.u32 $0xFFFFF000, s12  }
0xca: {  	s7 =	sadd.s32 $0xA00, s9;
	s12 =	sadd.s32 $0x110, s11;
	s5 =	sor.u32 s10, s5  }
0xcb: {  	[hbm4b:s25+s1] =	stream.linear.scatter [tilespmem:s15], [sflag:$0x2], $0x80, $0x38;
	[tilespmem:$0x1F200] =	vst v63  }
0xcc: {  	s15 =	sadd.s32 $0xE00, s9;
	s25 =	sadd.s32 $0x190, s11;
	s10 =	spop (v2sf)  }
0xcd: {  	[hbm4b:s12+s1] =	stream.linear.scatter [tilespmem:s7], [sflag:$0x2], $0x80, $0x38;
	[tilespmem:$0x1F200] =	vst v63  }
0xce: {  	s9 =	sadd.s32 $0x200, s8;
	s12 =	sadd.s32 $0x600, s8;
	s7 =	sshll.u32 s10, $0x7  }
0xcf: {  	[hbm4b:s25+s1] =	stream.linear.scatter [tilespmem:s15], [sflag:$0x2], $0x80, $0x38;
	[tilespmem:$0x1F200] =	vst v63  }
0xd0: {  	s7 =	sand.u32 $0x380, s7;
	s25 =	sadd.s32 $0x390, s11;
	s15 =	sshll.u32 s10, $0x9  }
0xd1: {  	[hbm4b:s4+s1] =	stream.linear.scatter [tilespmem:s9], [sflag:$0x2], $0x80, $0x38;
	[tilespmem:$0x1F200] =	vst v63  }
0xd2: {  	s10 =	sadd.s32 $0x120, s11;
	s9 =	sadd.s32 $0xA00, s8;
	s4 =	sand.u32 $0xFFFFF000, s15  }
0xd3: {  	(v2sf) =	vpush v0, $0x7;
	[hbm4b:s6+s1] =	stream.linear.scatter [tilespmem:s12], [sflag:$0x2], $0x80, $0x38;
	[tilespmem:$0x1F200] =	vst v63  }
0xd4: {  	s15 =	sadd.s32 $0x1A0, s11;
	s4 =	sor.u32 s7, s4;
	s12 =	sadd.s32 $0xE00, s8  }
0xd5: {  	[hbm4b:s10+s1] =	stream.linear.scatter [tilespmem:s9], [sflag:$0x2], $0x80, $0x38;
	[tilespmem:$0x1F200] =	vst v63  }
0xd6: {  	s6 =	sadd.s32 $0x200, s5;
	s8 =	sadd.s32 $0x600, s5;
	s7 =	spop (v2sf)  }
0xd7: {  	[hbm4b:s15+s1] =	stream.linear.scatter [tilespmem:s12], [sflag:$0x2], $0x80, $0x38;
	[tilespmem:$0x1F200] =	vst v63  }
0xd8: {  	s9 =	sshll.u32 s7, $0x9;
	s10 =	sadd.s32 $0xA00, s5;
	s15 =	spop (v2sf)  }
0xd9: {  	[hbm4b:s2+s1] =	stream.linear.scatter [tilespmem:s6], [sflag:$0x2], $0x80, $0x38;
	[tilespmem:$0x1F200] =	vst v63  }
0xda: {  	s6 =	sshll.u32 s7, $0x7;
	s2 =	sand.u32 $0xFFFFF000, s9;
	s7 =	sshll.u32 s15, $0x9  }
0xdb: {  	(v2sf) =	vpush v0, $0x8;
	[hbm4b:s3+s1] =	stream.linear.scatter [tilespmem:s8], [sflag:$0x2], $0x80, $0x38;
	[tilespmem:$0x1F200] =	vst v63  }
0xdc: {  	s12 =	sand.u32 $0x380, s6;
	s6 =	sadd.s32 $0x200, s4;
	s9 =	sand.u32 $0xFFFFF000, s7  }
0xdd: {  	[hbm4b:s14+s1] =	stream.linear.scatter [tilespmem:s10], [sflag:$0x2], $0x80, $0x38;
	[tilespmem:$0x1F200] =	vst v63  }
0xde: {  	s2 =	sor.u32 s12, s2;
	s8 =	sadd.s32 $0x600, s4;
	s14 =	sadd.s32 $0xE00, s5  }
0xdf: {  	(v2sf) =	vpush v0, $0x9;
	[hbm4b:s31+s1] =	stream.linear.scatter [tilespmem:s14], [sflag:$0x2], $0x80, $0x38;
	[tilespmem:$0x1F200] =	vst v63  }
0xe0: {  	s3 =	sshll.u32 s15, $0x7;
	s12 =	sadd.s32 $0x140, s11;
	s5 =	sadd.s32 $0x40, s11  }
0xe1: {  	[hbm4b:s5+s1] =	stream.linear.scatter [tilespmem:s6], [sflag:$0x2], $0x80, $0x38;
	[tilespmem:$0x1F200] =	vst v63  }
0xe2: {  	s15 =	spop (v2sf);
	s3 =	sand.u32 $0x380, s3;
	s7 =	sadd.s32 $0xA00, s2  }
0xe3: {  	[hbm4b:s30+s1] =	stream.linear.scatter [tilespmem:s8], [sflag:$0x2], $0x80, $0x38;
	[tilespmem:$0x1F200] =	vst v63  }
0xe4: {  	s10 =	sadd.s32 $0xA00, s4;
	s3 =	sor.u32 s3, s9;
	s9 =	sadd.s32 $0xE00, s2  }
0xe5: {  	[hbm4b:s12+s1] =	stream.linear.scatter [tilespmem:s10], [sflag:$0x2], $0x80, $0x38;
	[tilespmem:$0x1F200] =	vst v63  }
0xe6: {  	s14 =	sadd.s32 $0xE00, s4;
	s31 =	sshll.u32 s15, $0x9;
	s4 =	sshll.u32 s15, $0x7  }
0xe7: {  	[hbm4b:s29+s1] =	stream.linear.scatter [tilespmem:s14], [sflag:$0x2], $0x80, $0x38;
	[tilespmem:$0x1F200] =	vst v63  }
0xe8: {  	s4 =	sand.u32 $0x380, s4;
	s30 =	sadd.s32 $0x200, s2;
	s29 =	sadd.s32 $0x50, s11  }
0xe9: {  	[hbm4b:s29+s1] =	stream.linear.scatter [tilespmem:s30], [sflag:$0x2], $0x80, $0x38;
	[tilespmem:$0x1F200] =	vst v63  }
0xea: {  	s5 =	sadd.s32 $0x600, s2;
	s6 =	sand.u32 $0xFFFFF000, s31;
	s8 =	spop (v2sf)  }
0xeb: {  	[hbm4b:s28+s1] =	stream.linear.scatter [tilespmem:s5], [sflag:$0x2], $0x80, $0x38;
	[tilespmem:$0x1F200] =	vst v63  }
0xec: {  	s4 =	sor.u32 s4, s6;
	s15 =	sshll.u32 s8, $0x9;
	s10 =	sadd.s32 $0x1D0, s11  }
0xed: {  	(v2sf) =	vpush v0, $0xA;
	[hbm4b:s26+s1] =	stream.linear.scatter [tilespmem:s7], [sflag:$0x2], $0x80, $0x38;
	[tilespmem:$0x1F200] =	vst v63  }
0xee: {  	s12 =	sadd.s32 $0x60, s11;
	s31 =	spop (v2sf);
	s30 =	sshll.u32 s8, $0x7  }
0xef: {  	[hbm4b:s10+s1] =	stream.linear.scatter [tilespmem:s9], [sflag:$0x2], $0x80, $0x38;
	[tilespmem:$0x1F200] =	vst v63  }
0xf0: {  	s14 =	sadd.s32 $0x200, s3;
	s29 =	sadd.s32 $0xA00, s3;
	s2 =	sand.u32 $0x380, s30  }
0xf1: {  	[hbm4b:s12+s1] =	stream.linear.scatter [tilespmem:s14], [sflag:$0x2], $0x80, $0x38;
	[tilespmem:$0x1F200] =	vst v63  }
0xf2: {  	s28 =	sadd.s32 $0xE0, s11;
	s5 =	sand.u32 $0xFFFFF000, s15;
	s26 =	sadd.s32 $0x600, s3  }
0xf3: {  	[hbm4b:s28+s1] =	stream.linear.scatter [tilespmem:s26], [sflag:$0x2], $0x80, $0x38;
	[tilespmem:$0x1F200] =	vst v63  }
0xf4: {  	s8 =	sadd.s32 $0x1E0, s11;
	s15 =	sshll.u32 s31, $0x7;
	s2 =	sor.u32 s2, s5  }
0xf5: {  	[hbm4b:s23+s1] =	stream.linear.scatter [tilespmem:s29], [sflag:$0x2], $0x80, $0x38;
	[tilespmem:$0x1F200] =	vst v63  }
0xf6: {  	s5 =	sand.u32 $0x380, s15;
	s15 =	sadd.s32 $0x380, s11;
	s7 =	sadd.s32 $0xE00, s3  }
0xf7: {  	(v2sf) =	vpush v0, $0xB;
	[hbm4b:s8+s1] =	stream.linear.scatter [tilespmem:s7], [sflag:$0x2], $0x80, $0x38;
	[tilespmem:$0x1F200] =	vst v63  }
0xf8: {  	s9 =	sadd.s32 $0x70, s11;
	s10 =	sadd.s32 $0x200, s4;
	s14 =	sshll.u32 s31, $0x9  }
0xf9: {  	[hbm4b:s9+s1] =	stream.linear.scatter [tilespmem:s10], [sflag:$0x2], $0x80, $0x38;
	[tilespmem:$0x1F200] =	vst v63  }
0xfa: {  	s30 =	sadd.s32 $0x200, s2;
	s12 =	sadd.s32 $0x600, s4;
	s3 =	sand.u32 $0xFFFFF000, s14  }
0xfb: {  	[hbm4b:s22+s1] =	stream.linear.scatter [tilespmem:s12], [sflag:$0x2], $0x80, $0x38;
	[tilespmem:$0x1F200] =	vst v63  }
0xfc: {  	s31 =	spop (v2sf);
	s14 =	sadd.s32 $0xE00, s2;
	s23 =	sadd.s32 $0xA00, s4  }
0xfd: {  	[hbm4b:s24+s1] =	stream.linear.scatter [tilespmem:s23], [sflag:$0x2], $0x80, $0x38;
	[tilespmem:$0x1F200] =	vst v63  }
0xfe: {  	s26 =	sadd.s32 $0xE00, s4;
	s28 =	sadd.s32 $0x1F0, s11;
	s3 =	sor.u32 s5, s3  }
0xff: {  	[hbm4b:s28+s1] =	stream.linear.scatter [tilespmem:s26], [sflag:$0x2], $0x80, $0x38;
	[tilespmem:$0x1F200] =	vst v63  }
0x100: {  	s29 =	sadd.s32 $0x200, s11;
	s7 =	sadd.s32 $0x600, s2;
	s8 =	sadd.s32 $0x280, s11  }
0x101: {  	[hbm4b:s29+s1] =	stream.linear.scatter [tilespmem:s30], [sflag:$0x2], $0x80, $0x38;
	[tilespmem:$0x1F200] =	vst v63  }
0x102: {  	s9 =	sshll.u32 s31, $0x9;
	s10 =	sadd.s32 $0xA00, s2;
	s22 =	sshll.u32 s31, $0x7  }
0x103: {  	[hbm4b:s8+s1] =	stream.linear.scatter [tilespmem:s7], [sflag:$0x2], $0x80, $0x38;
	[tilespmem:$0x1F200] =	vst v63  }
0x104: {  	s6 =	sand.u32 $0xFFFFF000, s9;
	s12 =	sadd.s32 $0x300, s11;
	s4 =	sand.u32 $0x380, s22  }
0x105: {  	[hbm4b:s12+s1] =	stream.linear.scatter [tilespmem:s10], [sflag:$0x2], $0x80, $0x38;
	[tilespmem:$0x1F200] =	vst v63  }
0x106: {  	s31 =	spop (v2sf);
	s23 =	sadd.s32 $0x210, s11;
	s4 =	sor.u32 s4, s6  }
0x107: {  	(v2sf) =	vpush v0, $0xC;
	[hbm4b:s15+s1] =	stream.linear.scatter [tilespmem:s14], [sflag:$0x2], $0x80, $0x38;
	[tilespmem:$0x1F200] =	vst v63  }
0x108: {  	s24 =	sadd.s32 $0x200, s3;
	s6 =	sadd.s32 $0xE00, s3;
	s9 =	sadd.s32 $0x200, s4  }
0x109: {  	(v2sf) =	vpush v0, $0xD;
	[hbm4b:s23+s1] =	stream.linear.scatter [tilespmem:s24], [sflag:$0x2], $0x80, $0x38;
	[tilespmem:$0x1F200] =	vst v63  }
0x10a: {  	s26 =	sadd.s32 $0x600, s3;
	s28 =	sadd.s32 $0x290, s11;
	s29 =	sadd.s32 $0xA00, s3  }
0x10b: {  	[hbm4b:s28+s1] =	stream.linear.scatter [tilespmem:s26], [sflag:$0x2], $0x80, $0x38;
	[tilespmem:$0x1F200] =	vst v63  }
0x10c: {  	s30 =	sadd.s32 $0x310, s11;
	s7 =	sshll.u32 s31, $0x9;
	s8 =	sshll.u32 s31, $0x7  }
0x10d: {  	[hbm4b:s30+s1] =	stream.linear.scatter [tilespmem:s29], [sflag:$0x2], $0x80, $0x38;
	[tilespmem:$0x1F200] =	vst v63  }
0x10e: {  	s22 =	sadd.s32 $0xE00, s4;
	s2 =	sand.u32 $0xFFFFF000, s7;
	s3 =	sand.u32 $0x380, s8  }
0x10f: {  	[hbm4b:s25+s1] =	stream.linear.scatter [tilespmem:s6], [sflag:$0x2], $0x80, $0x38;
	[tilespmem:$0x1F200] =	vst v63  }
0x110: {  	s10 =	sadd.s32 $0x600, s4;
	s12 =	sadd.s32 $0x2A0, s11;
	s2 =	sor.u32 s3, s2  }
0x111: {  	[hbm4b:s21+s1] =	stream.linear.scatter [tilespmem:s9], [sflag:$0x2], $0x80, $0x38;
	[tilespmem:$0x1F200] =	vst v63  }
0x112: {  	s14 =	sadd.s32 $0xA00, s4;
	s15 =	sadd.s32 $0x320, s11;
	s26 =	sadd.s32 $0x600, s2  }
0x113: {  	[hbm4b:s12+s1] =	stream.linear.scatter [tilespmem:s10], [sflag:$0x2], $0x80, $0x38;
	[tilespmem:$0x1F200] =	vst v63  }
0x114: {  	s28 =	sadd.s32 $0x2B0, s11;
	s29 =	sadd.s32 $0xA00, s2;
	s30 =	sadd.s32 $0x330, s11  }
0x115: {  	[hbm4b:s15+s1] =	stream.linear.scatter [tilespmem:s14], [sflag:$0x2], $0x80, $0x38;
	[tilespmem:$0x1F200] =	vst v63  }
0x116: {  	s25 =	sadd.s32 $0x200, s2;
	s6 =	sadd.s32 $0xE00, s2;
	s21 =	spop (v2sf)  }
0x117: {  	[hbm4b:s20+s1] =	stream.linear.scatter [tilespmem:s22], [sflag:$0x2], $0x80, $0x38;
	[tilespmem:$0x1F200] =	vst v63  }
0x118: {  	s23 =	sshll.u32 s21, $0x9;
	s24 =	sshll.u32 s21, $0x7;
	s31 =	spop (v2sf)  }
0x119: {  	(v2sf) =	vpush v0, $0xE;
	[hbm4b:s19+s1] =	stream.linear.scatter [tilespmem:s25], [sflag:$0x2], $0x80, $0x38;
	[tilespmem:$0x1F200] =	vst v63  }
0x11a: {  	s21 =	rddreg [dreg:$0x7];
	s3 =	sand.u32 $0xFFFFF000, s23;
	s4 =	sand.u32 $0x380, s24  }
0x11b: {  	(v2sf) =	vpush v0, $0xF;
	[hbm4b:s28+s1] =	stream.linear.scatter [tilespmem:s26], [sflag:$0x2], $0x80, $0x38;
	[tilespmem:$0x1F200] =	vst v63  }
0x11c: {  	s7 =	sshll.u32 s31, $0x9;
	s8 =	sshll.u32 s31, $0x7;
	s23 =	rddreg [dreg:$0x6]  }
0x11d: {  	[hbm4b:s30+s1] =	stream.linear.scatter [tilespmem:s29], [sflag:$0x2], $0x80, $0x38;
	[tilespmem:$0x1F200] =	vst v63  }
0x11e: {  	s12 =	sadd.s32 $0x2C0, s11;
	s31 =	rddreg [dreg:$0x5];
	s3 =	sor.u32 s4, s3  }
0x11f: {  	[hbm4b:s18+s1] =	stream.linear.scatter [tilespmem:s6], [sflag:$0x2], $0x80, $0x38;
	[tilespmem:$0x1F200] =	vst v63  }
0x120: {  	s2 =	sand.u32 $0xFFFFF000, s7;
	s4 =	sand.u32 $0x380, s8;
	s9 =	sadd.s32 $0x200, s3  }
0x121: {  	[hbm4b:s17+s1] =	stream.linear.scatter [tilespmem:s9], [sflag:$0x2], $0x80, $0x38;
	[tilespmem:$0x1F200] =	vst v63  }
0x122: {  	s10 =	sadd.s32 $0x600, s3;
	s2 =	sor.u32 s4, s2;
	s14 =	sadd.s32 $0xA00, s3  }
0x123: {  	[hbm4b:s12+s1] =	stream.linear.scatter [tilespmem:s10], [sflag:$0x2], $0x80, $0x38;
	[tilespmem:$0x1F200] =	vst v63  }
0x124: {  	s15 =	sadd.s32 $0x340, s11;
	s24 =	sadd.s32 $0x600, s2;
	s22 =	sadd.s32 $0x200, s2  }
0x125: {  	[hbm4b:s15+s1] =	stream.linear.scatter [tilespmem:s14], [sflag:$0x2], $0x80, $0x38;
	[tilespmem:$0x1F200] =	vst v63  }
0x126: {  	s25 =	sadd.s32 $0x2D0, s11;
	s26 =	sadd.s32 $0xA00, s2;
	s18 =	sadd.s32 $0xE00, s3  }
0x127: {  	[hbm4b:s21+s1] =	stream.linear.scatter [tilespmem:s18], [sflag:$0x2], $0x80, $0x38;
	[tilespmem:$0x1F200] =	vst v63  }
0x128: {  	s28 =	sadd.s32 $0x350, s11;
	s2 =	sadd.s32 $0xE00, s2;
	s17 =	spop (v2sf)  }
0x129: {  	[hbm4b:s23+s1] =	stream.linear.scatter [tilespmem:s22], [sflag:$0x2], $0x80, $0x38;
	[tilespmem:$0x1F200] =	vst v63  }
0x12a: {  	s19 =	sshll.u32 s17, $0x9;
	s20 =	sshll.u32 s17, $0x7;
	s29 =	spop (v2sf)  }
0x12b: {  	[hbm4b:s25+s1] =	stream.linear.scatter [tilespmem:s24], [sflag:$0x2], $0x80, $0x38;
	[tilespmem:$0x1F200] =	vst v63  }
.Ltmp0:
0x12c: {  	s3 =	sand.u32 $0xFFFFF000, s19;
	s4 =	sand.u32 $0x380, s20;
	(pc) =	sbr.rel @p0 .LBB2_2-.Ltmp0, $4  }
0x12d: {  	[hbm4b:s28+s1] =	stream.linear.scatter [tilespmem:s26], [sflag:$0x2], $0x80, $0x38;
	[tilespmem:$0x1F200] =	vst v63  }
0x12e: {  	s30 =	sshll.u32 s29, $0x9;
	s0 =	sor.u32 s4, s3;
	s3 =	sshll.u32 s29, $0x7  }
0x12f: {  	[hbm4b:s31+s1] =	stream.linear.scatter [tilespmem:s2], [sflag:$0x2], $0x80, $0x38;
	[tilespmem:$0x1F200] =	vst v63  }
0x130: {  	s4 =	sadd.s32 $0x260, s11;
	s6 =	sadd.s32 $0x200, s0;
	s2 =	sand.u32 $0xFFFFF000, s30  }
0x131: {  	[hbm4b:s4+s1] =	stream.linear.scatter [tilespmem:s6], [sflag:$0x2], $0x80, $0x38;
	[tilespmem:$0x1F200] =	vst v63  }
0x132: {  	s16 =	sadd.s32 $0x600, s0;
	s5 =	sadd.s32 $0x2E0, s11  }
0x133: {  	[hbm4b:s5+s1] =	stream.linear.scatter [tilespmem:s16], [sflag:$0x2], $0x80, $0x38;
	[tilespmem:$0x1F200] =	vst v63  }
0x134: {  	s17 =	sadd.s32 $0xA00, s0;
	s18 =	sadd.s32 $0x360, s11;
	s3 =	sand.u32 $0x380, s3  }
0x135: {  	[hbm4b:s18+s1] =	stream.linear.scatter [tilespmem:s17], [sflag:$0x2], $0x80, $0x38;
	[tilespmem:$0x1F200] =	vst v63  }
0x136: {  	s19 =	sadd.s32 $0xE00, s0;
	s20 =	sadd.s32 $0x3E0, s11;
	s2 =	sor.u32 s3, s2  }
0x137: {  	[hbm4b:s20+s1] =	stream.linear.scatter [tilespmem:s19], [sflag:$0x2], $0x80, $0x38;
	[tilespmem:$0x1F200] =	vst v63  }
0x138: {  	s21 =	sadd.s32 $0x270, s11;
	s3 =	sadd.s32 $0x200, s2  }
0x139: {  	[hbm4b:s21+s1] =	stream.linear.scatter [tilespmem:s3], [sflag:$0x2], $0x80, $0x38;
	[tilespmem:$0x1F200] =	vst v63  }
0x13a: {  	s23 =	sadd.s32 $0x2F0, s11;
	s22 =	sadd.s32 $0x600, s2  }
0x13b: {  	[hbm4b:s23+s1] =	stream.linear.scatter [tilespmem:s22], [sflag:$0x2], $0x80, $0x38;
	[tilespmem:$0x1F200] =	vst v63  }
0x13c: {  	s25 =	sadd.s32 $0x370, s11;
	s24 =	sadd.s32 $0xA00, s2  }
0x13d: {  	[hbm4b:s25+s1] =	stream.linear.scatter [tilespmem:s24], [sflag:$0x2], $0x80, $0x38;
	[tilespmem:$0x1F200] =	vst v63  }
0x13e: {  	s28 =	sadd.s32 $0x3F0, s11;
	s29 =	simm.s32 $0x2;
	s26 =	sadd.s32 $0xE00, s2  }
0x13f: {  	[hbm4b:s28+s1] =	stream.linear.scatter [tilespmem:s26], [sflag:$0x2], $0x80, $0x38;
	[tilespmem:$0x1F200] =	vst v63  }
0x140: {  	_ =	swait.ge [sflag:s29], $0x2000  }
0x141: {  	[sflag:s29] =	ssyncset.done $0x0  }
0x142: {  	[sflag:s29] =	ssyncadd.s32 $0xFFFFE000  }
0x143: {  	_ =	swait.ge [sflag:s29], $0x2000  }
0x144: {  	[sflag:s29] =	ssyncset.done $0x0  }
0x145: {  	[sflag:s29] =	ssyncadd.s32 $0xFFFFE000  }
0x146: {  	_ =	swait.ge [sflag:s29], $0x2000  }
0x147: {  	[sflag:s29] =	ssyncset.done $0x0  }
0x148: {  	[sflag:s29] =	ssyncadd.s32 $0xFFFFE000  }
0x149: {  	_ =	swait.ge [sflag:s29], $0x2000  }
0x14a: {  	[sflag:s29] =	ssyncset.done $0x0  }
0x14b: {  	[sflag:s29] =	ssyncadd.s32 $0xFFFFE000  }
0x14c: {  	_ =	swait.ge [sflag:s29], $0x2000  }
0x14d: {  	[sflag:s29] =	ssyncset.done $0x0  }
0x14e: {  	[sflag:s29] =	ssyncadd.s32 $0xFFFFE000  }
0x14f: {  	_ =	swait.ge [sflag:s29], $0x2000  }
0x150: {  	[sflag:s29] =	ssyncset.done $0x0  }
0x151: {  	[sflag:s29] =	ssyncadd.s32 $0xFFFFE000  }
0x152: {  	_ =	swait.ge [sflag:s29], $0x2000  }
0x153: {  	[sflag:s29] =	ssyncset.done $0x0  }
0x154: {  	[sflag:s29] =	ssyncadd.s32 $0xFFFFE000  }
0x155: {  	_ =	swait.ge [sflag:s29], $0x2000  }
0x156: {  	[sflag:s29] =	ssyncset.done $0x0  }
0x157: {  	[sflag:s29] =	ssyncadd.s32 $0xFFFFE000  }
0x158: {  	_ =	swait.ge [sflag:s29], $0x2000  }
0x159: {  	[sflag:s29] =	ssyncset.done $0x0  }
0x15a: {  	[sflag:s29] =	ssyncadd.s32 $0xFFFFE000  }
0x15b: {  	_ =	swait.ge [sflag:s29], $0x2000  }
0x15c: {  	[sflag:s29] =	ssyncset.done $0x0  }
0x15d: {  	[sflag:s29] =	ssyncadd.s32 $0xFFFFE000  }
0x15e: {  	_ =	swait.ge [sflag:s29], $0x2000  }
0x15f: {  	[sflag:s29] =	ssyncset.done $0x0  }
0x160: {  	[sflag:s29] =	ssyncadd.s32 $0xFFFFE000  }
0x161: {  	_ =	swait.ge [sflag:s29], $0x2000  }
0x162: {  	[sflag:s29] =	ssyncset.done $0x0  }
0x163: {  	[sflag:s29] =	ssyncadd.s32 $0xFFFFE000  }
0x164: {  	_ =	swait.ge [sflag:s29], $0x2000  }
0x165: {  	[sflag:s29] =	ssyncset.done $0x0  }
0x166: {  	[sflag:s29] =	ssyncadd.s32 $0xFFFFE000  }
0x167: {  	_ =	swait.ge [sflag:s29], $0x2000  }
0x168: {  	[sflag:s29] =	ssyncset.done $0x0  }
0x169: {  	[sflag:s29] =	ssyncadd.s32 $0xFFFFE000  }
0x16a: {  	_ =	swait.ge [sflag:s29], $0x2000  }
0x16b: {  	[sflag:s29] =	ssyncset.done $0x0  }
0x16c: {  	[sflag:s29] =	ssyncadd.s32 $0xFFFFE000  }
0x16d: {  	_ =	swait.ge [sflag:s29], $0x2000  }
0x16e: {  	[sflag:s29] =	ssyncset.done $0x0  }
0x16f: {  	[sflag:s29] =	ssyncadd.s32 $0xFFFFE000  }
0x170: {  	_ =	swait.ge [sflag:s29], $0x2000  }
0x171: {  	[sflag:s29] =	ssyncset.done $0x0  }
0x172: {  	[sflag:s29] =	ssyncadd.s32 $0xFFFFE000  }
0x173: {  	_ =	swait.ge [sflag:s29], $0x2000  }
0x174: {  	[sflag:s29] =	ssyncset.done $0x0  }
0x175: {  	[sflag:s29] =	ssyncadd.s32 $0xFFFFE000  }
0x176: {  	_ =	swait.ge [sflag:s29], $0x2000  }
0x177: {  	[sflag:s29] =	ssyncset.done $0x0  }
0x178: {  	[sflag:s29] =	ssyncadd.s32 $0xFFFFE000  }
0x179: {  	_ =	swait.ge [sflag:s29], $0x2000  }
0x17a: {  	[sflag:s29] =	ssyncset.done $0x0  }
0x17b: {  	[sflag:s29] =	ssyncadd.s32 $0xFFFFE000  }
0x17c: {  	_ =	swait.ge [sflag:s29], $0x2000  }
0x17d: {  	[sflag:s29] =	ssyncset.done $0x0  }
0x17e: {  	[sflag:s29] =	ssyncadd.s32 $0xFFFFE000  }
0x17f: {  	_ =	swait.ge [sflag:s29], $0x2000  }
0x180: {  	[sflag:s29] =	ssyncset.done $0x0  }
0x181: {  	[sflag:s29] =	ssyncadd.s32 $0xFFFFE000  }
0x182: {  	_ =	swait.ge [sflag:s29], $0x2000  }
0x183: {  	[sflag:s29] =	ssyncset.done $0x0  }
0x184: {  	[sflag:s29] =	ssyncadd.s32 $0xFFFFE000  }
0x185: {  	_ =	swait.ge [sflag:s29], $0x2000  }
0x186: {  	[sflag:s29] =	ssyncset.done $0x0  }
0x187: {  	[sflag:s29] =	ssyncadd.s32 $0xFFFFE000  }
0x188: {  	_ =	swait.ge [sflag:s29], $0x2000  }
0x189: {  	[sflag:s29] =	ssyncset.done $0x0  }
0x18a: {  	[sflag:s29] =	ssyncadd.s32 $0xFFFFE000  }
0x18b: {  	_ =	swait.ge [sflag:s29], $0x2000  }
0x18c: {  	[sflag:s29] =	ssyncset.done $0x0  }
0x18d: {  	[sflag:s29] =	ssyncadd.s32 $0xFFFFE000  }
0x18e: {  	_ =	swait.ge [sflag:s29], $0x2000  }
0x18f: {  	[sflag:s29] =	ssyncset.done $0x0  }
0x190: {  	[sflag:s29] =	ssyncadd.s32 $0xFFFFE000  }
0x191: {  	_ =	swait.ge [sflag:s29], $0x2000  }
0x192: {  	[sflag:s29] =	ssyncset.done $0x0  }
0x193: {  	[sflag:s29] =	ssyncadd.s32 $0xFFFFE000  }
0x194: {  	_ =	swait.ge [sflag:s29], $0x2000  }
0x195: {  	[sflag:s29] =	ssyncset.done $0x0  }
0x196: {  	[sflag:s29] =	ssyncadd.s32 $0xFFFFE000  }
0x197: {  	_ =	swait.ge [sflag:s29], $0x2000  }
0x198: {  	[sflag:s29] =	ssyncset.done $0x0  }
0x199: {  	[sflag:s29] =	ssyncadd.s32 $0xFFFFE000  }
0x19a: {  	_ =	swait.ge [sflag:s29], $0x2000  }
0x19b: {  	[sflag:s29] =	ssyncset.done $0x0  }
0x19c: {  	[sflag:s29] =	ssyncadd.s32 $0xFFFFE000  }
0x19d: {  	_ =	swait.ge [sflag:s29], $0x2000  }
0x19e: {  	s30 =	rddreg [dreg:$0xb]  }
0x19f: {  	s31 =	rddreg [dreg:$0xa];
	s3 =	sadd.s32 $0x1, s30  }
0x1a0: {  	p0 =	sne.s32 s3, s31  }
.Ltmp1:
0x1a1: {  	_ = 	snop;
	(pc) =	sbr.rel @p0 .LBB2_1-.Ltmp1, $3  }
0x1a2: {  	_ =	sdelay $0x1  }
0x1a3: {  	[sflag:s29] =	ssyncset.done $0x0  }
0x1a4: {  	[sflag:s29] =	ssyncadd.s32 $0xFFFFE000  }
0x1a5: {  	_ =	sfence.sel $0x180000  }
0x1a6: {  	[bflag:$0x0] =	sbarrier.arrive $0xFFFF  }
0x1a7: {  	_ =	strace $0x90000047  }
0x1a8: {  	s0 =	stileid.u32;
	[bflag:$0x2] =	sbarrier.arrive $0xFFFF  }
0x1a9: {  	p0 =	sne.s32 s0, $0x0;
	s0 =	rddreg [dreg:$0x3]  }
0x1aa: {  	s0 =	sadd.s32 @!p0 $0x100000, s0  }
0x1ab: {  	[sflag:s0] =	ssyncadd.tile.s32 @!p0 $0x1;
	_ =	shalt  }
.Lfunc_end2:
_tile_overlayer_lowered:
.L_overlay_start_2:
0x1ac: {  	(tag) =	ssettag $0x2  }
0x1ad: {  	s0 =	rddreg [dreg:$0x0];
	s2 =	stileid.u32  }
0x1ae: {  	s1 =	rddreg [dreg:$0x1];
	p0 =	sne.s32 s2, $0x0  }
0x1af: {  	s3 =	rddreg [dreg:$0x2];
	[bflag:$0x3] =	sbarrier.arrive $0xFFFF;
	s2 =	simm.s32 @!p0 $0x1C03  }
0x1b0: {  	[timem:s3], [sflag:s2] =	dma.local @!p0 [hbm:s0], s1  }
0x1b1: {  	s0 =	simm.s32 @!p0 $0x3  }
0x1b2: {  	_ =	swait.ge @!p0 [sflag:s0], s1  }
0x1b3: {  	s1 =	ssub.s32 @!p0 $0x0, s1;
	[sflag:s0] =	ssyncset.done @!p0 $0x0  }
0x1b4: {  	[sflag:s0] =	ssyncadd.s32 @!p0 s1  }
0x1b5: {  	[bflag:$0x3] =	sbarrier.arrive $0xFFFF  }
0x1b6: {  	_ =	shalt  }

</sc_bundles>
